<compile_context>
chip_gen: v7x
topology: tpu7x:2x2x1
jax: 0.10.2.dev20260603
libtpu: 0.0.44.dev20260713+nightly
codegen_flags: <defaults>
</compile_context>

<pallas_src>
import functools

import jax
import jax.numpy as jnp
from jax import lax
from jax.experimental import pallas as pl
from jax.experimental.pallas import tpu as pltpu
from jax.experimental.pallas import tpu_sc as plsc

N = 10000
D = 128
DH = D // 2
E = 320000

NC = 2
NS = 16
CHUNK = 160
NCHUNK = 125
NBUF = 4
ROWS_PER_TILE = N // NS
ZROWS = 25
ZBLKS = ROWS_PER_TILE // ZROWS


def _matmul(x, w):
    BM = 2000

    def body(x_ref, w_ref, o0_ref, o1_ref):
        s = jnp.dot(x_ref[...], w_ref[...], preferred_element_type=jnp.float32)
        o0_ref[...] = s[:, :DH]
        o1_ref[...] = s[:, DH:]

    return pl.pallas_call(
        body,
        grid=(N // BM,),
        in_specs=[pl.BlockSpec((BM, D), lambda i: (i, 0)),
                  pl.BlockSpec((D, D), lambda i: (0, 0))],
        out_specs=[pl.BlockSpec((BM, DH), lambda i: (i, 0)),
                   pl.BlockSpec((BM, DH), lambda i: (i, 0))],
        out_shape=[jax.ShapeDtypeStruct((N, DH), jnp.float32),
                   jax.ShapeDtypeStruct((N, DH), jnp.float32)],
    )(x, w)


def _scatter_body(ei_hbm, sup0_hbm, sup1_hbm, bias_hbm, out_hbm,
                  cb, rb, bias_v, rows, zbuf, accum, gsems, ssems):
    c = 1 - lax.axis_index("c")
    s = lax.axis_index("s")

    pltpu.sync_copy(ei_hbm.at[0, pl.ds(s * NCHUNK, NCHUNK)], rb)
    pltpu.sync_copy(ei_hbm.at[1, pl.ds(s * NCHUNK, NCHUNK)], cb)
    pltpu.sync_copy(bias_hbm, bias_v)

    def zrow(r, carry):
        for j in range(DH // 16):
            zbuf[r, pl.ds(j * 16, 16)] = bias_v[pl.ds(c * DH + j * 16, 16)]
        return carry

    lax.fori_loop(0, ZROWS, zrow, 0)
    for b in range(ZBLKS):
        pltpu.sync_copy(
            zbuf, accum.at[pl.ds(s * ROWS_PER_TILE + b * ZROWS, ZROWS)])

    plsc.subcore_barrier()

    def run(sup_hbm):
        def fire_gather(g, b):
            pltpu.async_copy(sup_hbm.at[cb.at[g]], rows.at[b], gsems.at[b])

        def wait_gather(g, b):
            pltpu.make_async_copy(
                sup_hbm.at[cb.at[g]], rows.at[b], gsems.at[b]).wait()

        def fire_scatter(g, b):
            pltpu.async_copy(rows.at[b], accum.at[rb.at[g]], ssems.at[b],
                             add=True)

        def wait_scatter(g, b):
            pltpu.make_async_copy(
                rows.at[b], accum.at[rb.at[g]], ssems.at[b]).wait()

        for b in range(NBUF):
            fire_gather(b, b)

        NFULL = NCHUNK // NBUF - 1

        def body(i, carry):
            g0 = i * NBUF
            for b in range(NBUF):
                wait_gather(g0 + b, b)
                fire_scatter(g0 + b, b)
            for b in range(NBUF):
                wait_scatter(g0 + b, b)
                nxt = g0 + NBUF + b

                @pl.when(nxt < NCHUNK)
                def _():
                    fire_gather(nxt, b)
            return carry

        lax.fori_loop(0, NFULL + 1, body, 0)
        for b in range(NCHUNK - (NFULL + 1) * NBUF):
            g = (NFULL + 1) * NBUF + b
            wait_gather(g, b)
            fire_scatter(g, b)
            wait_scatter(g, b)

    @pl.when(c == 0)
    def _():
        run(sup0_hbm)

    @pl.when(c == 1)
    def _():
        run(sup1_hbm)

    plsc.subcore_barrier()

    r0 = s * ROWS_PER_TILE
    pltpu.sync_copy(accum.at[pl.ds(r0, ROWS_PER_TILE)],
                    out_hbm.at[pl.ds(r0, ROWS_PER_TILE), pl.ds(c * DH, DH)])


def _scatter(ei3, sup0, sup1, bias):
    mesh = plsc.VectorSubcoreMesh(core_axis_name="c", subcore_axis_name="s")
    k = functools.partial(
        pl.kernel,
        out_type=jax.ShapeDtypeStruct((N, D), jnp.float32),
        mesh=mesh,
        scratch_types=[
            pltpu.VMEM((NCHUNK, CHUNK), jnp.int32),
            pltpu.VMEM((NCHUNK, CHUNK), jnp.int32),
            pltpu.VMEM((D,), jnp.float32),
            pltpu.VMEM((NBUF, CHUNK, DH), jnp.float32),
            pltpu.VMEM((ZROWS, DH), jnp.float32),
            pltpu.VMEM_SHARED((N, DH), jnp.float32),
            pltpu.SemaphoreType.DMA((NBUF,)),
            pltpu.SemaphoreType.DMA((NBUF,)),
        ],
        compiler_params=pltpu.CompilerParams(use_tc_tiling_on_sc=False),
    )(_scatter_body)
    return k(ei3, sup0, sup1, bias)


def kernel(edge_index, input_feature, weight, bias):
    sup0, sup1 = _matmul(input_feature, weight)
    return _scatter(edge_index.reshape(2, NS * NCHUNK, CHUNK),
                    sup0, sup1, bias)

# --- scband reference (transcript-rebuilt; emitter-appended) ---
"""Pipeline reference for scband-graph-conv-4870492914285 (READ-ONLY COPY).

The authoritative reference and input builder live on the scoring server;
editing this copy changes nothing except your own understanding.
"""

import jax, jax.numpy as jnp
import numpy as np

N = 10000
E = 320000
D_IN = 128
D_OUT = 128


def setup_inputs(seed: int = 0) -> dict:
    key = jax.random.key(seed)
    k1, k2, k3 = jax.random.split(key, 3)
    input_feature = jax.random.normal(k1, (N, D_IN), dtype=jnp.float32)
    edge_index = jax.random.randint(k2, (2, E), 0, N, dtype=jnp.int32)
    # kaiming_normal_ init for weight (fan_in mode): std = sqrt(2 / fan_in)
    weight = jax.random.normal(k3, (D_IN, D_OUT), dtype=jnp.float32) * np.sqrt(2.0 / D_IN)
    bias = jnp.zeros((D_OUT,), dtype=jnp.float32)
    return {
        "edge_index": edge_index,
        "input_feature": input_feature,
        "weight": weight,
        "bias": bias,
    }


def reference(edge_index, input_feature, weight, bias):
    # support = X @ Theta
    support = input_feature @ weight
    # output = A_sparse @ support, with adjacency given in COO form
    # (row=edge_index[0] as destination row of the sparse matrix,
    #  col=edge_index[1] as source column), all values = 1.0.
    row = edge_index[0]
    col = edge_index[1]
    gathered = jnp.take(support, col, axis=0)
    output = jax.ops.segment_sum(gathered, row, num_segments=N)
    output = output + bias
    return output

if __name__ == "__main__":
    import jax
    _d = setup_inputs()
    print(jax.jit(kernel)(*tuple(_d.values())))

</pallas_src>

<mosaic_0001>
#map = affine_map<(d0, d1) -> (0, 0, 0)>
#map1 = affine_map<(d0, d1) -> (0, 0)>
#map2 = affine_map<(d0, d1) -> (0)>
module attributes {stable_mosaic.version = 14 : i64} {
  func.func @_scatter_body(%arg0: i32, %arg1: i32, %arg2: memref<2x2000x160xi32, #tpu.memory_space<hbm>>, %arg3: memref<10000x64xf32, #tpu.memory_space<hbm>>, %arg4: memref<10000x64xf32, #tpu.memory_space<hbm>>, %arg5: memref<128xf32, #tpu.memory_space<hbm>>, %arg6: memref<10000x128xf32, #tpu.memory_space<hbm>>, %arg7: memref<125x160xi32, #tpu.memory_space<vmem>>, %arg8: memref<125x160xi32, #tpu.memory_space<vmem>>, %arg9: memref<128xf32, #tpu.memory_space<vmem>>, %arg10: memref<4x160x64xf32, #tpu.memory_space<vmem>>, %arg11: memref<25x64xf32, #tpu.memory_space<vmem>>, %arg12: memref<10000x64xf32, #tpu.memory_space<vmem_shared>>, %arg13: memref<4x!tpu.dma_semaphore, #tpu.memory_space<semaphore_mem>>, %arg14: memref<4x!tpu.dma_semaphore, #tpu.memory_space<semaphore_mem>>) attributes {dimension_semantics = [#tpu.dimension_semantics<core_parallel>, #tpu.dimension_semantics<subcore_parallel>], iteration_bounds = array<i64: 2, 16>, scalar_prefetch = 0 : i64, scratch_operands = 8 : i64, tpu.core_type = #tpu.core_type<sc_vector_subcore>, window_params = [{transform_indices = #map}, {transform_indices = #map1}, {transform_indices = #map1}, {transform_indices = #map2}, {transform_indices = #map1}]} {
    %sub3A = arith.constant 1 : i32
    %sub3A_0 = arith.subi %sub3A, %arg0 : i32
    %mul3A = arith.constant 125 : i32
    %mul3A_1 = arith.muli %arg1, %mul3A : i32
    %run_scoped3A = arith.constant 0 : i32
    "tpu.region"() ({
      %run_scoped3A_121 = tpu.sem_alloc : memref<!tpu.dma_semaphore, #tpu.memory_space<semaphore_mem>>
      %dma_start3A = arith.constant 0 : i32
      %dma_start3A_122 = tpu.memref_slice %arg2[%run_scoped3A, %mul3A_1, %dma_start3A] : memref<2x2000x160xi32, #tpu.memory_space<hbm>> -> memref<1x125x160xi32, #tpu.memory_space<hbm>>
      %dma_start3A_123 = tpu.memref_squeeze %dma_start3A_122 : memref<1x125x160xi32, #tpu.memory_space<hbm>> -> memref<125x160xi32, #tpu.memory_space<hbm>>
      %dma_start3A_124 = arith.constant 0 : i32
      %dma_start3A_125 = tpu.memref_slice %arg2[%run_scoped3A, %mul3A_1, %dma_start3A_124] : memref<2x2000x160xi32, #tpu.memory_space<hbm>> -> memref<1x125x160xi32, #tpu.memory_space<hbm>>
      %dma_start3A_126 = tpu.memref_squeeze %dma_start3A_125 : memref<1x125x160xi32, #tpu.memory_space<hbm>> -> memref<125x160xi32, #tpu.memory_space<hbm>>
      tpu.enqueue_dma source(%dma_start3A_126 : memref<125x160xi32, #tpu.memory_space<hbm>>) target(%arg8 : memref<125x160xi32, #tpu.memory_space<vmem>>) target_semaphore(%run_scoped3A_121 : memref<!tpu.dma_semaphore, #tpu.memory_space<semaphore_mem>>)
      %dma_wait3A = arith.constant 0 : i32
      %dma_wait3A_127 = tpu.memref_slice %arg2[%run_scoped3A, %mul3A_1, %dma_wait3A] : memref<2x2000x160xi32, #tpu.memory_space<hbm>> -> memref<1x125x160xi32, #tpu.memory_space<hbm>>
      %dma_wait3A_128 = tpu.memref_squeeze %dma_wait3A_127 : memref<1x125x160xi32, #tpu.memory_space<hbm>> -> memref<125x160xi32, #tpu.memory_space<hbm>>
      %dma_wait3A_129 = arith.constant 0 : i32
      %dma_wait3A_130 = tpu.memref_slice %arg2[%run_scoped3A, %mul3A_1, %dma_wait3A_129] : memref<2x2000x160xi32, #tpu.memory_space<hbm>> -> memref<1x125x160xi32, #tpu.memory_space<hbm>>
      %dma_wait3A_131 = tpu.memref_squeeze %dma_wait3A_130 : memref<1x125x160xi32, #tpu.memory_space<hbm>> -> memref<125x160xi32, #tpu.memory_space<hbm>>
      tpu.wait_dma2 semaphore(%run_scoped3A_121 : memref<!tpu.dma_semaphore, #tpu.memory_space<semaphore_mem>>) src(%dma_wait3A_131 : memref<125x160xi32, #tpu.memory_space<hbm>>) dst(%arg8 : memref<125x160xi32, #tpu.memory_space<vmem>>)
      tpu.yield
    }) : () -> ()
    %mul3A_2 = arith.constant 125 : i32
    %mul3A_3 = arith.muli %arg1, %mul3A_2 : i32
    %run_scoped3A_4 = arith.constant 1 : i32
    "tpu.region"() ({
      %run_scoped3A_121 = tpu.sem_alloc : memref<!tpu.dma_semaphore, #tpu.memory_space<semaphore_mem>>
      %dma_start3A = arith.constant 0 : i32
      %dma_start3A_122 = tpu.memref_slice %arg2[%run_scoped3A_4, %mul3A_3, %dma_start3A] : memref<2x2000x160xi32, #tpu.memory_space<hbm>> -> memref<1x125x160xi32, #tpu.memory_space<hbm>>
      %dma_start3A_123 = tpu.memref_squeeze %dma_start3A_122 : memref<1x125x160xi32, #tpu.memory_space<hbm>> -> memref<125x160xi32, #tpu.memory_space<hbm>>
      %dma_start3A_124 = arith.constant 0 : i32
      %dma_start3A_125 = tpu.memref_slice %arg2[%run_scoped3A_4, %mul3A_3, %dma_start3A_124] : memref<2x2000x160xi32, #tpu.memory_space<hbm>> -> memref<1x125x160xi32, #tpu.memory_space<hbm>>
      %dma_start3A_126 = tpu.memref_squeeze %dma_start3A_125 : memref<1x125x160xi32, #tpu.memory_space<hbm>> -> memref<125x160xi32, #tpu.memory_space<hbm>>
      tpu.enqueue_dma source(%dma_start3A_126 : memref<125x160xi32, #tpu.memory_space<hbm>>) target(%arg7 : memref<125x160xi32, #tpu.memory_space<vmem>>) target_semaphore(%run_scoped3A_121 : memref<!tpu.dma_semaphore, #tpu.memory_space<semaphore_mem>>)
      %dma_wait3A = arith.constant 0 : i32
      %dma_wait3A_127 = tpu.memref_slice %arg2[%run_scoped3A_4, %mul3A_3, %dma_wait3A] : memref<2x2000x160xi32, #tpu.memory_space<hbm>> -> memref<1x125x160xi32, #tpu.memory_space<hbm>>
      %dma_wait3A_128 = tpu.memref_squeeze %dma_wait3A_127 : memref<1x125x160xi32, #tpu.memory_space<hbm>> -> memref<125x160xi32, #tpu.memory_space<hbm>>
      %dma_wait3A_129 = arith.constant 0 : i32
      %dma_wait3A_130 = tpu.memref_slice %arg2[%run_scoped3A_4, %mul3A_3, %dma_wait3A_129] : memref<2x2000x160xi32, #tpu.memory_space<hbm>> -> memref<1x125x160xi32, #tpu.memory_space<hbm>>
      %dma_wait3A_131 = tpu.memref_squeeze %dma_wait3A_130 : memref<1x125x160xi32, #tpu.memory_space<hbm>> -> memref<125x160xi32, #tpu.memory_space<hbm>>
      tpu.wait_dma2 semaphore(%run_scoped3A_121 : memref<!tpu.dma_semaphore, #tpu.memory_space<semaphore_mem>>) src(%dma_wait3A_131 : memref<125x160xi32, #tpu.memory_space<hbm>>) dst(%arg7 : memref<125x160xi32, #tpu.memory_space<vmem>>)
      tpu.yield
    }) : () -> ()
    "tpu.region"() ({
      %run_scoped3A_121 = tpu.sem_alloc : memref<!tpu.dma_semaphore, #tpu.memory_space<semaphore_mem>>
      tpu.enqueue_dma source(%arg5 : memref<128xf32, #tpu.memory_space<hbm>>) target(%arg9 : memref<128xf32, #tpu.memory_space<vmem>>) target_semaphore(%run_scoped3A_121 : memref<!tpu.dma_semaphore, #tpu.memory_space<semaphore_mem>>)
      tpu.wait_dma2 semaphore(%run_scoped3A_121 : memref<!tpu.dma_semaphore, #tpu.memory_space<semaphore_mem>>) src(%arg5 : memref<128xf32, #tpu.memory_space<hbm>>) dst(%arg9 : memref<128xf32, #tpu.memory_space<vmem>>)
      tpu.yield
    }) : () -> ()
    %scan3A = arith.constant 0 : i32
    %scan3A_5 = arith.constant 0 : i32
    %scan3A_6 = arith.constant 25 : i32
    %scan3A_7 = arith.addi %scan3A_5, %scan3A_6 : i32
    %scan3A_8 = arith.constant 1 : i32
    scf.for %scan3A_121 = %scan3A_5 to %scan3A_7 step %scan3A_8  : i32 {
      %mul3A_122 = arith.constant 64 : i32
      %mul3A_123 = arith.muli %sub3A_0, %mul3A_122 : i32
      %add3A_124 = arith.constant 0 : i32
      %add3A_125 = arith.addi %mul3A_123, %add3A_124 : i32
      %get3A = arith.index_cast %add3A_125 : i32 to index
      %get3A_126 = tpu.vector_load %arg9[%get3A] {strides = array<i32>} : memref<128xf32, #tpu.memory_space<vmem>>, vector<16xf32>,
      %get3A_127 = vector.shape_cast %get3A_126 : vector<16xf32> to vector<16xf32>
      %swap3A = arith.index_cast %scan3A_121 : i32 to index
      %swap3A_128 = arith.constant 0 : index
      %swap3A_129 = tpu.vector_load %arg11[%swap3A, %swap3A_128] {strides = array<i32>} : memref<25x64xf32, #tpu.memory_space<vmem>>, vector<1x16xf32>,
      %swap3A_130 = vector.shape_cast %swap3A_129 : vector<1x16xf32> to vector<16xf32>
      %swap3A_131 = vector.shape_cast %get3A_127 : vector<16xf32> to vector<1x16xf32>
      tpu.vector_store %arg11[%swap3A, %swap3A_128], %swap3A_131 {strides = array<i32>} : memref<25x64xf32, #tpu.memory_space<vmem>>, vector<1x16xf32>,
      %mul3A_132 = arith.constant 64 : i32
      %mul3A_133 = arith.muli %sub3A_0, %mul3A_132 : i32
      %add3A_134 = arith.constant 16 : i32
      %add3A_135 = arith.addi %mul3A_133, %add3A_134 : i32
      %get3A_136 = arith.index_cast %add3A_135 : i32 to index
      %get3A_137 = tpu.vector_load %arg9[%get3A_136] {strides = array<i32>} : memref<128xf32, #tpu.memory_space<vmem>>, vector<16xf32>,
      %get3A_138 = vector.shape_cast %get3A_137 : vector<16xf32> to vector<16xf32>
      %swap3A_139 = arith.index_cast %scan3A_121 : i32 to index
      %swap3A_140 = arith.constant 16 : index
      %swap3A_141 = tpu.vector_load %arg11[%swap3A_139, %swap3A_140] {strides = array<i32>} : memref<25x64xf32, #tpu.memory_space<vmem>>, vector<1x16xf32>,
      %swap3A_142 = vector.shape_cast %swap3A_141 : vector<1x16xf32> to vector<16xf32>
      %swap3A_143 = vector.shape_cast %get3A_138 : vector<16xf32> to vector<1x16xf32>
      tpu.vector_store %arg11[%swap3A_139, %swap3A_140], %swap3A_143 {strides = array<i32>} : memref<25x64xf32, #tpu.memory_space<vmem>>, vector<1x16xf32>,
      %mul3A_144 = arith.constant 64 : i32
      %mul3A_145 = arith.muli %sub3A_0, %mul3A_144 : i32
      %add3A_146 = arith.constant 32 : i32
      %add3A_147 = arith.addi %mul3A_145, %add3A_146 : i32
      %get3A_148 = arith.index_cast %add3A_147 : i32 to index
      %get3A_149 = tpu.vector_load %arg9[%get3A_148] {strides = array<i32>} : memref<128xf32, #tpu.memory_space<vmem>>, vector<16xf32>,
      %get3A_150 = vector.shape_cast %get3A_149 : vector<16xf32> to vector<16xf32>
      %swap3A_151 = arith.index_cast %scan3A_121 : i32 to index
      %swap3A_152 = arith.constant 32 : index
      %swap3A_153 = tpu.vector_load %arg11[%swap3A_151, %swap3A_152] {strides = array<i32>} : memref<25x64xf32, #tpu.memory_space<vmem>>, vector<1x16xf32>,
      %swap3A_154 = vector.shape_cast %swap3A_153 : vector<1x16xf32> to vector<16xf32>
      %swap3A_155 = vector.shape_cast %get3A_150 : vector<16xf32> to vector<1x16xf32>
      tpu.vector_store %arg11[%swap3A_151, %swap3A_152], %swap3A_155 {strides = array<i32>} : memref<25x64xf32, #tpu.memory_space<vmem>>, vector<1x16xf32>,
      %mul3A_156 = arith.constant 64 : i32
      %mul3A_157 = arith.muli %sub3A_0, %mul3A_156 : i32
      %add3A_158 = arith.constant 48 : i32
      %add3A_159 = arith.addi %mul3A_157, %add3A_158 : i32
      %get3A_160 = arith.index_cast %add3A_159 : i32 to index
      %get3A_161 = tpu.vector_load %arg9[%get3A_160] {strides = array<i32>} : memref<128xf32, #tpu.memory_space<vmem>>, vector<16xf32>,
      %get3A_162 = vector.shape_cast %get3A_161 : vector<16xf32> to vector<16xf32>
      %swap3A_163 = arith.index_cast %scan3A_121 : i32 to index
      %swap3A_164 = arith.constant 48 : index
      %swap3A_165 = tpu.vector_load %arg11[%swap3A_163, %swap3A_164] {strides = array<i32>} : memref<25x64xf32, #tpu.memory_space<vmem>>, vector<1x16xf32>,
      %swap3A_166 = vector.shape_cast %swap3A_165 : vector<1x16xf32> to vector<16xf32>
      %swap3A_167 = vector.shape_cast %get3A_162 : vector<16xf32> to vector<1x16xf32>
      tpu.vector_store %arg11[%swap3A_163, %swap3A_164], %swap3A_167 {strides = array<i32>} : memref<25x64xf32, #tpu.memory_space<vmem>>, vector<1x16xf32>,
    }
    %scan3A_9 = arith.constant 25 : i32
    %mul3A_10 = arith.constant 625 : i32
    %mul3A_11 = arith.muli %arg1, %mul3A_10 : i32
    %add3A = arith.constant 0 : i32
    %add3A_12 = arith.addi %mul3A_11, %add3A : i32
    "tpu.region"() ({
      %run_scoped3A_121 = tpu.sem_alloc : memref<!tpu.dma_semaphore, #tpu.memory_space<semaphore_mem>>
      %dma_start3A = arith.constant 0 : i32
      %dma_start3A_122 = tpu.memref_slice %arg12[%add3A_12, %dma_start3A] : memref<10000x64xf32, #tpu.memory_space<vmem_shared>> -> memref<25x64xf32, #tpu.memory_space<vmem_shared>>
      %dma_start3A_123 = arith.constant 0 : i32
      %dma_start3A_124 = tpu.memref_slice %arg12[%add3A_12, %dma_start3A_123] : memref<10000x64xf32, #tpu.memory_space<vmem_shared>> -> memref<25x64xf32, #tpu.memory_space<vmem_shared>>
      tpu.enqueue_dma source(%arg11 : memref<25x64xf32, #tpu.memory_space<vmem>>) target(%dma_start3A_124 : memref<25x64xf32, #tpu.memory_space<vmem_shared>>) target_semaphore(%run_scoped3A_121 : memref<!tpu.dma_semaphore, #tpu.memory_space<semaphore_mem>>)
      %dma_wait3A = arith.constant 0 : i32
      %dma_wait3A_125 = tpu.memref_slice %arg12[%add3A_12, %dma_wait3A] : memref<10000x64xf32, #tpu.memory_space<vmem_shared>> -> memref<25x64xf32, #tpu.memory_space<vmem_shared>>
      %dma_wait3A_126 = arith.constant 0 : i32
      %dma_wait3A_127 = tpu.memref_slice %arg12[%add3A_12, %dma_wait3A_126] : memref<10000x64xf32, #tpu.memory_space<vmem_shared>> -> memref<25x64xf32, #tpu.memory_space<vmem_shared>>
      tpu.wait_dma2 semaphore(%run_scoped3A_121 : memref<!tpu.dma_semaphore, #tpu.memory_space<semaphore_mem>>) src(%arg11 : memref<25x64xf32, #tpu.memory_space<vmem>>) dst(%dma_wait3A_127 : memref<25x64xf32, #tpu.memory_space<vmem_shared>>)
      tpu.yield
    }) : () -> ()
    %mul3A_13 = arith.constant 625 : i32
    %mul3A_14 = arith.muli %arg1, %mul3A_13 : i32
    %add3A_15 = arith.constant 25 : i32
    %add3A_16 = arith.addi %mul3A_14, %add3A_15 : i32
    "tpu.region"() ({
      %run_scoped3A_121 = tpu.sem_alloc : memref<!tpu.dma_semaphore, #tpu.memory_space<semaphore_mem>>
      %dma_start3A = arith.constant 0 : i32
      %dma_start3A_122 = tpu.memref_slice %arg12[%add3A_16, %dma_start3A] : memref<10000x64xf32, #tpu.memory_space<vmem_shared>> -> memref<25x64xf32, #tpu.memory_space<vmem_shared>>
      %dma_start3A_123 = arith.constant 0 : i32
      %dma_start3A_124 = tpu.memref_slice %arg12[%add3A_16, %dma_start3A_123] : memref<10000x64xf32, #tpu.memory_space<vmem_shared>> -> memref<25x64xf32, #tpu.memory_space<vmem_shared>>
      tpu.enqueue_dma source(%arg11 : memref<25x64xf32, #tpu.memory_space<vmem>>) target(%dma_start3A_124 : memref<25x64xf32, #tpu.memory_space<vmem_shared>>) target_semaphore(%run_scoped3A_121 : memref<!tpu.dma_semaphore, #tpu.memory_space<semaphore_mem>>)
      %dma_wait3A = arith.constant 0 : i32
      %dma_wait3A_125 = tpu.memref_slice %arg12[%add3A_16, %dma_wait3A] : memref<10000x64xf32, #tpu.memory_space<vmem_shared>> -> memref<25x64xf32, #tpu.memory_space<vmem_shared>>
      %dma_wait3A_126 = arith.constant 0 : i32
      %dma_wait3A_127 = tpu.memref_slice %arg12[%add3A_16, %dma_wait3A_126] : memref<10000x64xf32, #tpu.memory_space<vmem_shared>> -> memref<25x64xf32, #tpu.memory_space<vmem_shared>>
      tpu.wait_dma2 semaphore(%run_scoped3A_121 : memref<!tpu.dma_semaphore, #tpu.memory_space<semaphore_mem>>) src(%arg11 : memref<25x64xf32, #tpu.memory_space<vmem>>) dst(%dma_wait3A_127 : memref<25x64xf32, #tpu.memory_space<vmem_shared>>)
      tpu.yield
    }) : () -> ()
    %mul3A_17 = arith.constant 625 : i32
    %mul3A_18 = arith.muli %arg1, %mul3A_17 : i32
    %add3A_19 = arith.constant 50 : i32
    %add3A_20 = arith.addi %mul3A_18, %add3A_19 : i32
    "tpu.region"() ({
      %run_scoped3A_121 = tpu.sem_alloc : memref<!tpu.dma_semaphore, #tpu.memory_space<semaphore_mem>>
      %dma_start3A = arith.constant 0 : i32
      %dma_start3A_122 = tpu.memref_slice %arg12[%add3A_20, %dma_start3A] : memref<10000x64xf32, #tpu.memory_space<vmem_shared>> -> memref<25x64xf32, #tpu.memory_space<vmem_shared>>
      %dma_start3A_123 = arith.constant 0 : i32
      %dma_start3A_124 = tpu.memref_slice %arg12[%add3A_20, %dma_start3A_123] : memref<10000x64xf32, #tpu.memory_space<vmem_shared>> -> memref<25x64xf32, #tpu.memory_space<vmem_shared>>
      tpu.enqueue_dma source(%arg11 : memref<25x64xf32, #tpu.memory_space<vmem>>) target(%dma_start3A_124 : memref<25x64xf32, #tpu.memory_space<vmem_shared>>) target_semaphore(%run_scoped3A_121 : memref<!tpu.dma_semaphore, #tpu.memory_space<semaphore_mem>>)
      %dma_wait3A = arith.constant 0 : i32
      %dma_wait3A_125 = tpu.memref_slice %arg12[%add3A_20, %dma_wait3A] : memref<10000x64xf32, #tpu.memory_space<vmem_shared>> -> memref<25x64xf32, #tpu.memory_space<vmem_shared>>
      %dma_wait3A_126 = arith.constant 0 : i32
      %dma_wait3A_127 = tpu.memref_slice %arg12[%add3A_20, %dma_wait3A_126] : memref<10000x64xf32, #tpu.memory_space<vmem_shared>> -> memref<25x64xf32, #tpu.memory_space<vmem_shared>>
      tpu.wait_dma2 semaphore(%run_scoped3A_121 : memref<!tpu.dma_semaphore, #tpu.memory_space<semaphore_mem>>) src(%arg11 : memref<25x64xf32, #tpu.memory_space<vmem>>) dst(%dma_wait3A_127 : memref<25x64xf32, #tpu.memory_space<vmem_shared>>)
      tpu.yield
    }) : () -> ()
    %mul3A_21 = arith.constant 625 : i32
    %mul3A_22 = arith.muli %arg1, %mul3A_21 : i32
    %add3A_23 = arith.constant 75 : i32
    %add3A_24 = arith.addi %mul3A_22, %add3A_23 : i32
    "tpu.region"() ({
      %run_scoped3A_121 = tpu.sem_alloc : memref<!tpu.dma_semaphore, #tpu.memory_space<semaphore_mem>>
      %dma_start3A = arith.constant 0 : i32
      %dma_start3A_122 = tpu.memref_slice %arg12[%add3A_24, %dma_start3A] : memref<10000x64xf32, #tpu.memory_space<vmem_shared>> -> memref<25x64xf32, #tpu.memory_space<vmem_shared>>
      %dma_start3A_123 = arith.constant 0 : i32
      %dma_start3A_124 = tpu.memref_slice %arg12[%add3A_24, %dma_start3A_123] : memref<10000x64xf32, #tpu.memory_space<vmem_shared>> -> memref<25x64xf32, #tpu.memory_space<vmem_shared>>
      tpu.enqueue_dma source(%arg11 : memref<25x64xf32, #tpu.memory_space<vmem>>) target(%dma_start3A_124 : memref<25x64xf32, #tpu.memory_space<vmem_shared>>) target_semaphore(%run_scoped3A_121 : memref<!tpu.dma_semaphore, #tpu.memory_space<semaphore_mem>>)
      %dma_wait3A = arith.constant 0 : i32
      %dma_wait3A_125 = tpu.memref_slice %arg12[%add3A_24, %dma_wait3A] : memref<10000x64xf32, #tpu.memory_space<vmem_shared>> -> memref<25x64xf32, #tpu.memory_space<vmem_shared>>
      %dma_wait3A_126 = arith.constant 0 : i32
      %dma_wait3A_127 = tpu.memref_slice %arg12[%add3A_24, %dma_wait3A_126] : memref<10000x64xf32, #tpu.memory_space<vmem_shared>> -> memref<25x64xf32, #tpu.memory_space<vmem_shared>>
      tpu.wait_dma2 semaphore(%run_scoped3A_121 : memref<!tpu.dma_semaphore, #tpu.memory_space<semaphore_mem>>) src(%arg11 : memref<25x64xf32, #tpu.memory_space<vmem>>) dst(%dma_wait3A_127 : memref<25x64xf32, #tpu.memory_space<vmem_shared>>)
      tpu.yield
    }) : () -> ()
    %mul3A_25 = arith.constant 625 : i32
    %mul3A_26 = arith.muli %arg1, %mul3A_25 : i32
    %add3A_27 = arith.constant 100 : i32
    %add3A_28 = arith.addi %mul3A_26, %add3A_27 : i32
    "tpu.region"() ({
      %run_scoped3A_121 = tpu.sem_alloc : memref<!tpu.dma_semaphore, #tpu.memory_space<semaphore_mem>>
      %dma_start3A = arith.constant 0 : i32
      %dma_start3A_122 = tpu.memref_slice %arg12[%add3A_28, %dma_start3A] : memref<10000x64xf32, #tpu.memory_space<vmem_shared>> -> memref<25x64xf32, #tpu.memory_space<vmem_shared>>
      %dma_start3A_123 = arith.constant 0 : i32
      %dma_start3A_124 = tpu.memref_slice %arg12[%add3A_28, %dma_start3A_123] : memref<10000x64xf32, #tpu.memory_space<vmem_shared>> -> memref<25x64xf32, #tpu.memory_space<vmem_shared>>
      tpu.enqueue_dma source(%arg11 : memref<25x64xf32, #tpu.memory_space<vmem>>) target(%dma_start3A_124 : memref<25x64xf32, #tpu.memory_space<vmem_shared>>) target_semaphore(%run_scoped3A_121 : memref<!tpu.dma_semaphore, #tpu.memory_space<semaphore_mem>>)
      %dma_wait3A = arith.constant 0 : i32
      %dma_wait3A_125 = tpu.memref_slice %arg12[%add3A_28, %dma_wait3A] : memref<10000x64xf32, #tpu.memory_space<vmem_shared>> -> memref<25x64xf32, #tpu.memory_space<vmem_shared>>
      %dma_wait3A_126 = arith.constant 0 : i32
      %dma_wait3A_127 = tpu.memref_slice %arg12[%add3A_28, %dma_wait3A_126] : memref<10000x64xf32, #tpu.memory_space<vmem_shared>> -> memref<25x64xf32, #tpu.memory_space<vmem_shared>>
      tpu.wait_dma2 semaphore(%run_scoped3A_121 : memref<!tpu.dma_semaphore, #tpu.memory_space<semaphore_mem>>) src(%arg11 : memref<25x64xf32, #tpu.memory_space<vmem>>) dst(%dma_wait3A_127 : memref<25x64xf32, #tpu.memory_space<vmem_shared>>)
      tpu.yield
    }) : () -> ()
    %mul3A_29 = arith.constant 625 : i32
    %mul3A_30 = arith.muli %arg1, %mul3A_29 : i32
    %add3A_31 = arith.constant 125 : i32
    %add3A_32 = arith.addi %mul3A_30, %add3A_31 : i32
    "tpu.region"() ({
      %run_scoped3A_121 = tpu.sem_alloc : memref<!tpu.dma_semaphore, #tpu.memory_space<semaphore_mem>>
      %dma_start3A = arith.constant 0 : i32
      %dma_start3A_122 = tpu.memref_slice %arg12[%add3A_32, %dma_start3A] : memref<10000x64xf32, #tpu.memory_space<vmem_shared>> -> memref<25x64xf32, #tpu.memory_space<vmem_shared>>
      %dma_start3A_123 = arith.constant 0 : i32
      %dma_start3A_124 = tpu.memref_slice %arg12[%add3A_32, %dma_start3A_123] : memref<10000x64xf32, #tpu.memory_space<vmem_shared>> -> memref<25x64xf32, #tpu.memory_space<vmem_shared>>
      tpu.enqueue_dma source(%arg11 : memref<25x64xf32, #tpu.memory_space<vmem>>) target(%dma_start3A_124 : memref<25x64xf32, #tpu.memory_space<vmem_shared>>) target_semaphore(%run_scoped3A_121 : memref<!tpu.dma_semaphore, #tpu.memory_space<semaphore_mem>>)
      %dma_wait3A = arith.constant 0 : i32
      %dma_wait3A_125 = tpu.memref_slice %arg12[%add3A_32, %dma_wait3A] : memref<10000x64xf32, #tpu.memory_space<vmem_shared>> -> memref<25x64xf32, #tpu.memory_space<vmem_shared>>
      %dma_wait3A_126 = arith.constant 0 : i32
      %dma_wait3A_127 = tpu.memref_slice %arg12[%add3A_32, %dma_wait3A_126] : memref<10000x64xf32, #tpu.memory_space<vmem_shared>> -> memref<25x64xf32, #tpu.memory_space<vmem_shared>>
      tpu.wait_dma2 semaphore(%run_scoped3A_121 : memref<!tpu.dma_semaphore, #tpu.memory_space<semaphore_mem>>) src(%arg11 : memref<25x64xf32, #tpu.memory_space<vmem>>) dst(%dma_wait3A_127 : memref<25x64xf32, #tpu.memory_space<vmem_shared>>)
      tpu.yield
    }) : () -> ()
    %mul3A_33 = arith.constant 625 : i32
    %mul3A_34 = arith.muli %arg1, %mul3A_33 : i32
    %add3A_35 = arith.constant 150 : i32
    %add3A_36 = arith.addi %mul3A_34, %add3A_35 : i32
    "tpu.region"() ({
      %run_scoped3A_121 = tpu.sem_alloc : memref<!tpu.dma_semaphore, #tpu.memory_space<semaphore_mem>>
      %dma_start3A = arith.constant 0 : i32
      %dma_start3A_122 = tpu.memref_slice %arg12[%add3A_36, %dma_start3A] : memref<10000x64xf32, #tpu.memory_space<vmem_shared>> -> memref<25x64xf32, #tpu.memory_space<vmem_shared>>
      %dma_start3A_123 = arith.constant 0 : i32
      %dma_start3A_124 = tpu.memref_slice %arg12[%add3A_36, %dma_start3A_123] : memref<10000x64xf32, #tpu.memory_space<vmem_shared>> -> memref<25x64xf32, #tpu.memory_space<vmem_shared>>
      tpu.enqueue_dma source(%arg11 : memref<25x64xf32, #tpu.memory_space<vmem>>) target(%dma_start3A_124 : memref<25x64xf32, #tpu.memory_space<vmem_shared>>) target_semaphore(%run_scoped3A_121 : memref<!tpu.dma_semaphore, #tpu.memory_space<semaphore_mem>>)
      %dma_wait3A = arith.constant 0 : i32
      %dma_wait3A_125 = tpu.memref_slice %arg12[%add3A_36, %dma_wait3A] : memref<10000x64xf32, #tpu.memory_space<vmem_shared>> -> memref<25x64xf32, #tpu.memory_space<vmem_shared>>
      %dma_wait3A_126 = arith.constant 0 : i32
      %dma_wait3A_127 = tpu.memref_slice %arg12[%add3A_36, %dma_wait3A_126] : memref<10000x64xf32, #tpu.memory_space<vmem_shared>> -> memref<25x64xf32, #tpu.memory_space<vmem_shared>>
      tpu.wait_dma2 semaphore(%run_scoped3A_121 : memref<!tpu.dma_semaphore, #tpu.memory_space<semaphore_mem>>) src(%arg11 : memref<25x64xf32, #tpu.memory_space<vmem>>) dst(%dma_wait3A_127 : memref<25x64xf32, #tpu.memory_space<vmem_shared>>)
      tpu.yield
    }) : () -> ()
    %mul3A_37 = arith.constant 625 : i32
    %mul3A_38 = arith.muli %arg1, %mul3A_37 : i32
    %add3A_39 = arith.constant 175 : i32
    %add3A_40 = arith.addi %mul3A_38, %add3A_39 : i32
    "tpu.region"() ({
      %run_scoped3A_121 = tpu.sem_alloc : memref<!tpu.dma_semaphore, #tpu.memory_space<semaphore_mem>>
      %dma_start3A = arith.constant 0 : i32
      %dma_start3A_122 = tpu.memref_slice %arg12[%add3A_40, %dma_start3A] : memref<10000x64xf32, #tpu.memory_space<vmem_shared>> -> memref<25x64xf32, #tpu.memory_space<vmem_shared>>
      %dma_start3A_123 = arith.constant 0 : i32
      %dma_start3A_124 = tpu.memref_slice %arg12[%add3A_40, %dma_start3A_123] : memref<10000x64xf32, #tpu.memory_space<vmem_shared>> -> memref<25x64xf32, #tpu.memory_space<vmem_shared>>
      tpu.enqueue_dma source(%arg11 : memref<25x64xf32, #tpu.memory_space<vmem>>) target(%dma_start3A_124 : memref<25x64xf32, #tpu.memory_space<vmem_shared>>) target_semaphore(%run_scoped3A_121 : memref<!tpu.dma_semaphore, #tpu.memory_space<semaphore_mem>>)
      %dma_wait3A = arith.constant 0 : i32
      %dma_wait3A_125 = tpu.memref_slice %arg12[%add3A_40, %dma_wait3A] : memref<10000x64xf32, #tpu.memory_space<vmem_shared>> -> memref<25x64xf32, #tpu.memory_space<vmem_shared>>
      %dma_wait3A_126 = arith.constant 0 : i32
      %dma_wait3A_127 = tpu.memref_slice %arg12[%add3A_40, %dma_wait3A_126] : memref<10000x64xf32, #tpu.memory_space<vmem_shared>> -> memref<25x64xf32, #tpu.memory_space<vmem_shared>>
      tpu.wait_dma2 semaphore(%run_scoped3A_121 : memref<!tpu.dma_semaphore, #tpu.memory_space<semaphore_mem>>) src(%arg11 : memref<25x64xf32, #tpu.memory_space<vmem>>) dst(%dma_wait3A_127 : memref<25x64xf32, #tpu.memory_space<vmem_shared>>)
      tpu.yield
    }) : () -> ()
    %mul3A_41 = arith.constant 625 : i32
    %mul3A_42 = arith.muli %arg1, %mul3A_41 : i32
    %add3A_43 = arith.constant 200 : i32
    %add3A_44 = arith.addi %mul3A_42, %add3A_43 : i32
    "tpu.region"() ({
      %run_scoped3A_121 = tpu.sem_alloc : memref<!tpu.dma_semaphore, #tpu.memory_space<semaphore_mem>>
      %dma_start3A = arith.constant 0 : i32
      %dma_start3A_122 = tpu.memref_slice %arg12[%add3A_44, %dma_start3A] : memref<10000x64xf32, #tpu.memory_space<vmem_shared>> -> memref<25x64xf32, #tpu.memory_space<vmem_shared>>
      %dma_start3A_123 = arith.constant 0 : i32
      %dma_start3A_124 = tpu.memref_slice %arg12[%add3A_44, %dma_start3A_123] : memref<10000x64xf32, #tpu.memory_space<vmem_shared>> -> memref<25x64xf32, #tpu.memory_space<vmem_shared>>
      tpu.enqueue_dma source(%arg11 : memref<25x64xf32, #tpu.memory_space<vmem>>) target(%dma_start3A_124 : memref<25x64xf32, #tpu.memory_space<vmem_shared>>) target_semaphore(%run_scoped3A_121 : memref<!tpu.dma_semaphore, #tpu.memory_space<semaphore_mem>>)
      %dma_wait3A = arith.constant 0 : i32
      %dma_wait3A_125 = tpu.memref_slice %arg12[%add3A_44, %dma_wait3A] : memref<10000x64xf32, #tpu.memory_space<vmem_shared>> -> memref<25x64xf32, #tpu.memory_space<vmem_shared>>
      %dma_wait3A_126 = arith.constant 0 : i32
      %dma_wait3A_127 = tpu.memref_slice %arg12[%add3A_44, %dma_wait3A_126] : memref<10000x64xf32, #tpu.memory_space<vmem_shared>> -> memref<25x64xf32, #tpu.memory_space<vmem_shared>>
      tpu.wait_dma2 semaphore(%run_scoped3A_121 : memref<!tpu.dma_semaphore, #tpu.memory_space<semaphore_mem>>) src(%arg11 : memref<25x64xf32, #tpu.memory_space<vmem>>) dst(%dma_wait3A_127 : memref<25x64xf32, #tpu.memory_space<vmem_shared>>)
      tpu.yield
    }) : () -> ()
    %mul3A_45 = arith.constant 625 : i32
    %mul3A_46 = arith.muli %arg1, %mul3A_45 : i32
    %add3A_47 = arith.constant 225 : i32
    %add3A_48 = arith.addi %mul3A_46, %add3A_47 : i32
    "tpu.region"() ({
      %run_scoped3A_121 = tpu.sem_alloc : memref<!tpu.dma_semaphore, #tpu.memory_space<semaphore_mem>>
      %dma_start3A = arith.constant 0 : i32
      %dma_start3A_122 = tpu.memref_slice %arg12[%add3A_48, %dma_start3A] : memref<10000x64xf32, #tpu.memory_space<vmem_shared>> -> memref<25x64xf32, #tpu.memory_space<vmem_shared>>
      %dma_start3A_123 = arith.constant 0 : i32
      %dma_start3A_124 = tpu.memref_slice %arg12[%add3A_48, %dma_start3A_123] : memref<10000x64xf32, #tpu.memory_space<vmem_shared>> -> memref<25x64xf32, #tpu.memory_space<vmem_shared>>
      tpu.enqueue_dma source(%arg11 : memref<25x64xf32, #tpu.memory_space<vmem>>) target(%dma_start3A_124 : memref<25x64xf32, #tpu.memory_space<vmem_shared>>) target_semaphore(%run_scoped3A_121 : memref<!tpu.dma_semaphore, #tpu.memory_space<semaphore_mem>>)
      %dma_wait3A = arith.constant 0 : i32
      %dma_wait3A_125 = tpu.memref_slice %arg12[%add3A_48, %dma_wait3A] : memref<10000x64xf32, #tpu.memory_space<vmem_shared>> -> memref<25x64xf32, #tpu.memory_space<vmem_shared>>
      %dma_wait3A_126 = arith.constant 0 : i32
      %dma_wait3A_127 = tpu.memref_slice %arg12[%add3A_48, %dma_wait3A_126] : memref<10000x64xf32, #tpu.memory_space<vmem_shared>> -> memref<25x64xf32, #tpu.memory_space<vmem_shared>>
      tpu.wait_dma2 semaphore(%run_scoped3A_121 : memref<!tpu.dma_semaphore, #tpu.memory_space<semaphore_mem>>) src(%arg11 : memref<25x64xf32, #tpu.memory_space<vmem>>) dst(%dma_wait3A_127 : memref<25x64xf32, #tpu.memory_space<vmem_shared>>)
      tpu.yield
    }) : () -> ()
    %mul3A_49 = arith.constant 625 : i32
    %mul3A_50 = arith.muli %arg1, %mul3A_49 : i32
    %add3A_51 = arith.constant 250 : i32
    %add3A_52 = arith.addi %mul3A_50, %add3A_51 : i32
    "tpu.region"() ({
      %run_scoped3A_121 = tpu.sem_alloc : memref<!tpu.dma_semaphore, #tpu.memory_space<semaphore_mem>>
      %dma_start3A = arith.constant 0 : i32
      %dma_start3A_122 = tpu.memref_slice %arg12[%add3A_52, %dma_start3A] : memref<10000x64xf32, #tpu.memory_space<vmem_shared>> -> memref<25x64xf32, #tpu.memory_space<vmem_shared>>
      %dma_start3A_123 = arith.constant 0 : i32
      %dma_start3A_124 = tpu.memref_slice %arg12[%add3A_52, %dma_start3A_123] : memref<10000x64xf32, #tpu.memory_space<vmem_shared>> -> memref<25x64xf32, #tpu.memory_space<vmem_shared>>
      tpu.enqueue_dma source(%arg11 : memref<25x64xf32, #tpu.memory_space<vmem>>) target(%dma_start3A_124 : memref<25x64xf32, #tpu.memory_space<vmem_shared>>) target_semaphore(%run_scoped3A_121 : memref<!tpu.dma_semaphore, #tpu.memory_space<semaphore_mem>>)
      %dma_wait3A = arith.constant 0 : i32
      %dma_wait3A_125 = tpu.memref_slice %arg12[%add3A_52, %dma_wait3A] : memref<10000x64xf32, #tpu.memory_space<vmem_shared>> -> memref<25x64xf32, #tpu.memory_space<vmem_shared>>
      %dma_wait3A_126 = arith.constant 0 : i32
      %dma_wait3A_127 = tpu.memref_slice %arg12[%add3A_52, %dma_wait3A_126] : memref<10000x64xf32, #tpu.memory_space<vmem_shared>> -> memref<25x64xf32, #tpu.memory_space<vmem_shared>>
      tpu.wait_dma2 semaphore(%run_scoped3A_121 : memref<!tpu.dma_semaphore, #tpu.memory_space<semaphore_mem>>) src(%arg11 : memref<25x64xf32, #tpu.memory_space<vmem>>) dst(%dma_wait3A_127 : memref<25x64xf32, #tpu.memory_space<vmem_shared>>)
      tpu.yield
    }) : () -> ()
    %mul3A_53 = arith.constant 625 : i32
    %mul3A_54 = arith.muli %arg1, %mul3A_53 : i32
    %add3A_55 = arith.constant 275 : i32
    %add3A_56 = arith.addi %mul3A_54, %add3A_55 : i32
    "tpu.region"() ({
      %run_scoped3A_121 = tpu.sem_alloc : memref<!tpu.dma_semaphore, #tpu.memory_space<semaphore_mem>>
      %dma_start3A = arith.constant 0 : i32
      %dma_start3A_122 = tpu.memref_slice %arg12[%add3A_56, %dma_start3A] : memref<10000x64xf32, #tpu.memory_space<vmem_shared>> -> memref<25x64xf32, #tpu.memory_space<vmem_shared>>
      %dma_start3A_123 = arith.constant 0 : i32
      %dma_start3A_124 = tpu.memref_slice %arg12[%add3A_56, %dma_start3A_123] : memref<10000x64xf32, #tpu.memory_space<vmem_shared>> -> memref<25x64xf32, #tpu.memory_space<vmem_shared>>
      tpu.enqueue_dma source(%arg11 : memref<25x64xf32, #tpu.memory_space<vmem>>) target(%dma_start3A_124 : memref<25x64xf32, #tpu.memory_space<vmem_shared>>) target_semaphore(%run_scoped3A_121 : memref<!tpu.dma_semaphore, #tpu.memory_space<semaphore_mem>>)
      %dma_wait3A = arith.constant 0 : i32
      %dma_wait3A_125 = tpu.memref_slice %arg12[%add3A_56, %dma_wait3A] : memref<10000x64xf32, #tpu.memory_space<vmem_shared>> -> memref<25x64xf32, #tpu.memory_space<vmem_shared>>
      %dma_wait3A_126 = arith.constant 0 : i32
      %dma_wait3A_127 = tpu.memref_slice %arg12[%add3A_56, %dma_wait3A_126] : memref<10000x64xf32, #tpu.memory_space<vmem_shared>> -> memref<25x64xf32, #tpu.memory_space<vmem_shared>>
      tpu.wait_dma2 semaphore(%run_scoped3A_121 : memref<!tpu.dma_semaphore, #tpu.memory_space<semaphore_mem>>) src(%arg11 : memref<25x64xf32, #tpu.memory_space<vmem>>) dst(%dma_wait3A_127 : memref<25x64xf32, #tpu.memory_space<vmem_shared>>)
      tpu.yield
    }) : () -> ()
    %mul3A_57 = arith.constant 625 : i32
    %mul3A_58 = arith.muli %arg1, %mul3A_57 : i32
    %add3A_59 = arith.constant 300 : i32
    %add3A_60 = arith.addi %mul3A_58, %add3A_59 : i32
    "tpu.region"() ({
      %run_scoped3A_121 = tpu.sem_alloc : memref<!tpu.dma_semaphore, #tpu.memory_space<semaphore_mem>>
      %dma_start3A = arith.constant 0 : i32
      %dma_start3A_122 = tpu.memref_slice %arg12[%add3A_60, %dma_start3A] : memref<10000x64xf32, #tpu.memory_space<vmem_shared>> -> memref<25x64xf32, #tpu.memory_space<vmem_shared>>
      %dma_start3A_123 = arith.constant 0 : i32
      %dma_start3A_124 = tpu.memref_slice %arg12[%add3A_60, %dma_start3A_123] : memref<10000x64xf32, #tpu.memory_space<vmem_shared>> -> memref<25x64xf32, #tpu.memory_space<vmem_shared>>
      tpu.enqueue_dma source(%arg11 : memref<25x64xf32, #tpu.memory_space<vmem>>) target(%dma_start3A_124 : memref<25x64xf32, #tpu.memory_space<vmem_shared>>) target_semaphore(%run_scoped3A_121 : memref<!tpu.dma_semaphore, #tpu.memory_space<semaphore_mem>>)
      %dma_wait3A = arith.constant 0 : i32
      %dma_wait3A_125 = tpu.memref_slice %arg12[%add3A_60, %dma_wait3A] : memref<10000x64xf32, #tpu.memory_space<vmem_shared>> -> memref<25x64xf32, #tpu.memory_space<vmem_shared>>
      %dma_wait3A_126 = arith.constant 0 : i32
      %dma_wait3A_127 = tpu.memref_slice %arg12[%add3A_60, %dma_wait3A_126] : memref<10000x64xf32, #tpu.memory_space<vmem_shared>> -> memref<25x64xf32, #tpu.memory_space<vmem_shared>>
      tpu.wait_dma2 semaphore(%run_scoped3A_121 : memref<!tpu.dma_semaphore, #tpu.memory_space<semaphore_mem>>) src(%arg11 : memref<25x64xf32, #tpu.memory_space<vmem>>) dst(%dma_wait3A_127 : memref<25x64xf32, #tpu.memory_space<vmem_shared>>)
      tpu.yield
    }) : () -> ()
    %mul3A_61 = arith.constant 625 : i32
    %mul3A_62 = arith.muli %arg1, %mul3A_61 : i32
    %add3A_63 = arith.constant 325 : i32
    %add3A_64 = arith.addi %mul3A_62, %add3A_63 : i32
    "tpu.region"() ({
      %run_scoped3A_121 = tpu.sem_alloc : memref<!tpu.dma_semaphore, #tpu.memory_space<semaphore_mem>>
      %dma_start3A = arith.constant 0 : i32
      %dma_start3A_122 = tpu.memref_slice %arg12[%add3A_64, %dma_start3A] : memref<10000x64xf32, #tpu.memory_space<vmem_shared>> -> memref<25x64xf32, #tpu.memory_space<vmem_shared>>
      %dma_start3A_123 = arith.constant 0 : i32
      %dma_start3A_124 = tpu.memref_slice %arg12[%add3A_64, %dma_start3A_123] : memref<10000x64xf32, #tpu.memory_space<vmem_shared>> -> memref<25x64xf32, #tpu.memory_space<vmem_shared>>
      tpu.enqueue_dma source(%arg11 : memref<25x64xf32, #tpu.memory_space<vmem>>) target(%dma_start3A_124 : memref<25x64xf32, #tpu.memory_space<vmem_shared>>) target_semaphore(%run_scoped3A_121 : memref<!tpu.dma_semaphore, #tpu.memory_space<semaphore_mem>>)
      %dma_wait3A = arith.constant 0 : i32
      %dma_wait3A_125 = tpu.memref_slice %arg12[%add3A_64, %dma_wait3A] : memref<10000x64xf32, #tpu.memory_space<vmem_shared>> -> memref<25x64xf32, #tpu.memory_space<vmem_shared>>
      %dma_wait3A_126 = arith.constant 0 : i32
      %dma_wait3A_127 = tpu.memref_slice %arg12[%add3A_64, %dma_wait3A_126] : memref<10000x64xf32, #tpu.memory_space<vmem_shared>> -> memref<25x64xf32, #tpu.memory_space<vmem_shared>>
      tpu.wait_dma2 semaphore(%run_scoped3A_121 : memref<!tpu.dma_semaphore, #tpu.memory_space<semaphore_mem>>) src(%arg11 : memref<25x64xf32, #tpu.memory_space<vmem>>) dst(%dma_wait3A_127 : memref<25x64xf32, #tpu.memory_space<vmem_shared>>)
      tpu.yield
    }) : () -> ()
    %mul3A_65 = arith.constant 625 : i32
    %mul3A_66 = arith.muli %arg1, %mul3A_65 : i32
    %add3A_67 = arith.constant 350 : i32
    %add3A_68 = arith.addi %mul3A_66, %add3A_67 : i32
    "tpu.region"() ({
      %run_scoped3A_121 = tpu.sem_alloc : memref<!tpu.dma_semaphore, #tpu.memory_space<semaphore_mem>>
      %dma_start3A = arith.constant 0 : i32
      %dma_start3A_122 = tpu.memref_slice %arg12[%add3A_68, %dma_start3A] : memref<10000x64xf32, #tpu.memory_space<vmem_shared>> -> memref<25x64xf32, #tpu.memory_space<vmem_shared>>
      %dma_start3A_123 = arith.constant 0 : i32
      %dma_start3A_124 = tpu.memref_slice %arg12[%add3A_68, %dma_start3A_123] : memref<10000x64xf32, #tpu.memory_space<vmem_shared>> -> memref<25x64xf32, #tpu.memory_space<vmem_shared>>
      tpu.enqueue_dma source(%arg11 : memref<25x64xf32, #tpu.memory_space<vmem>>) target(%dma_start3A_124 : memref<25x64xf32, #tpu.memory_space<vmem_shared>>) target_semaphore(%run_scoped3A_121 : memref<!tpu.dma_semaphore, #tpu.memory_space<semaphore_mem>>)
      %dma_wait3A = arith.constant 0 : i32
      %dma_wait3A_125 = tpu.memref_slice %arg12[%add3A_68, %dma_wait3A] : memref<10000x64xf32, #tpu.memory_space<vmem_shared>> -> memref<25x64xf32, #tpu.memory_space<vmem_shared>>
      %dma_wait3A_126 = arith.constant 0 : i32
      %dma_wait3A_127 = tpu.memref_slice %arg12[%add3A_68, %dma_wait3A_126] : memref<10000x64xf32, #tpu.memory_space<vmem_shared>> -> memref<25x64xf32, #tpu.memory_space<vmem_shared>>
      tpu.wait_dma2 semaphore(%run_scoped3A_121 : memref<!tpu.dma_semaphore, #tpu.memory_space<semaphore_mem>>) src(%arg11 : memref<25x64xf32, #tpu.memory_space<vmem>>) dst(%dma_wait3A_127 : memref<25x64xf32, #tpu.memory_space<vmem_shared>>)
      tpu.yield
    }) : () -> ()
    %mul3A_69 = arith.constant 625 : i32
    %mul3A_70 = arith.muli %arg1, %mul3A_69 : i32
    %add3A_71 = arith.constant 375 : i32
    %add3A_72 = arith.addi %mul3A_70, %add3A_71 : i32
    "tpu.region"() ({
      %run_scoped3A_121 = tpu.sem_alloc : memref<!tpu.dma_semaphore, #tpu.memory_space<semaphore_mem>>
      %dma_start3A = arith.constant 0 : i32
      %dma_start3A_122 = tpu.memref_slice %arg12[%add3A_72, %dma_start3A] : memref<10000x64xf32, #tpu.memory_space<vmem_shared>> -> memref<25x64xf32, #tpu.memory_space<vmem_shared>>
      %dma_start3A_123 = arith.constant 0 : i32
      %dma_start3A_124 = tpu.memref_slice %arg12[%add3A_72, %dma_start3A_123] : memref<10000x64xf32, #tpu.memory_space<vmem_shared>> -> memref<25x64xf32, #tpu.memory_space<vmem_shared>>
      tpu.enqueue_dma source(%arg11 : memref<25x64xf32, #tpu.memory_space<vmem>>) target(%dma_start3A_124 : memref<25x64xf32, #tpu.memory_space<vmem_shared>>) target_semaphore(%run_scoped3A_121 : memref<!tpu.dma_semaphore, #tpu.memory_space<semaphore_mem>>)
      %dma_wait3A = arith.constant 0 : i32
      %dma_wait3A_125 = tpu.memref_slice %arg12[%add3A_72, %dma_wait3A] : memref<10000x64xf32, #tpu.memory_space<vmem_shared>> -> memref<25x64xf32, #tpu.memory_space<vmem_shared>>
      %dma_wait3A_126 = arith.constant 0 : i32
      %dma_wait3A_127 = tpu.memref_slice %arg12[%add3A_72, %dma_wait3A_126] : memref<10000x64xf32, #tpu.memory_space<vmem_shared>> -> memref<25x64xf32, #tpu.memory_space<vmem_shared>>
      tpu.wait_dma2 semaphore(%run_scoped3A_121 : memref<!tpu.dma_semaphore, #tpu.memory_space<semaphore_mem>>) src(%arg11 : memref<25x64xf32, #tpu.memory_space<vmem>>) dst(%dma_wait3A_127 : memref<25x64xf32, #tpu.memory_space<vmem_shared>>)
      tpu.yield
    }) : () -> ()
    %mul3A_73 = arith.constant 625 : i32
    %mul3A_74 = arith.muli %arg1, %mul3A_73 : i32
    %add3A_75 = arith.constant 400 : i32
    %add3A_76 = arith.addi %mul3A_74, %add3A_75 : i32
    "tpu.region"() ({
      %run_scoped3A_121 = tpu.sem_alloc : memref<!tpu.dma_semaphore, #tpu.memory_space<semaphore_mem>>
      %dma_start3A = arith.constant 0 : i32
      %dma_start3A_122 = tpu.memref_slice %arg12[%add3A_76, %dma_start3A] : memref<10000x64xf32, #tpu.memory_space<vmem_shared>> -> memref<25x64xf32, #tpu.memory_space<vmem_shared>>
      %dma_start3A_123 = arith.constant 0 : i32
      %dma_start3A_124 = tpu.memref_slice %arg12[%add3A_76, %dma_start3A_123] : memref<10000x64xf32, #tpu.memory_space<vmem_shared>> -> memref<25x64xf32, #tpu.memory_space<vmem_shared>>
      tpu.enqueue_dma source(%arg11 : memref<25x64xf32, #tpu.memory_space<vmem>>) target(%dma_start3A_124 : memref<25x64xf32, #tpu.memory_space<vmem_shared>>) target_semaphore(%run_scoped3A_121 : memref<!tpu.dma_semaphore, #tpu.memory_space<semaphore_mem>>)
      %dma_wait3A = arith.constant 0 : i32
      %dma_wait3A_125 = tpu.memref_slice %arg12[%add3A_76, %dma_wait3A] : memref<10000x64xf32, #tpu.memory_space<vmem_shared>> -> memref<25x64xf32, #tpu.memory_space<vmem_shared>>
      %dma_wait3A_126 = arith.constant 0 : i32
      %dma_wait3A_127 = tpu.memref_slice %arg12[%add3A_76, %dma_wait3A_126] : memref<10000x64xf32, #tpu.memory_space<vmem_shared>> -> memref<25x64xf32, #tpu.memory_space<vmem_shared>>
      tpu.wait_dma2 semaphore(%run_scoped3A_121 : memref<!tpu.dma_semaphore, #tpu.memory_space<semaphore_mem>>) src(%arg11 : memref<25x64xf32, #tpu.memory_space<vmem>>) dst(%dma_wait3A_127 : memref<25x64xf32, #tpu.memory_space<vmem_shared>>)
      tpu.yield
    }) : () -> ()
    %mul3A_77 = arith.constant 625 : i32
    %mul3A_78 = arith.muli %arg1, %mul3A_77 : i32
    %add3A_79 = arith.constant 425 : i32
    %add3A_80 = arith.addi %mul3A_78, %add3A_79 : i32
    "tpu.region"() ({
      %run_scoped3A_121 = tpu.sem_alloc : memref<!tpu.dma_semaphore, #tpu.memory_space<semaphore_mem>>
      %dma_start3A = arith.constant 0 : i32
      %dma_start3A_122 = tpu.memref_slice %arg12[%add3A_80, %dma_start3A] : memref<10000x64xf32, #tpu.memory_space<vmem_shared>> -> memref<25x64xf32, #tpu.memory_space<vmem_shared>>
      %dma_start3A_123 = arith.constant 0 : i32
      %dma_start3A_124 = tpu.memref_slice %arg12[%add3A_80, %dma_start3A_123] : memref<10000x64xf32, #tpu.memory_space<vmem_shared>> -> memref<25x64xf32, #tpu.memory_space<vmem_shared>>
      tpu.enqueue_dma source(%arg11 : memref<25x64xf32, #tpu.memory_space<vmem>>) target(%dma_start3A_124 : memref<25x64xf32, #tpu.memory_space<vmem_shared>>) target_semaphore(%run_scoped3A_121 : memref<!tpu.dma_semaphore, #tpu.memory_space<semaphore_mem>>)
      %dma_wait3A = arith.constant 0 : i32
      %dma_wait3A_125 = tpu.memref_slice %arg12[%add3A_80, %dma_wait3A] : memref<10000x64xf32, #tpu.memory_space<vmem_shared>> -> memref<25x64xf32, #tpu.memory_space<vmem_shared>>
      %dma_wait3A_126 = arith.constant 0 : i32
      %dma_wait3A_127 = tpu.memref_slice %arg12[%add3A_80, %dma_wait3A_126] : memref<10000x64xf32, #tpu.memory_space<vmem_shared>> -> memref<25x64xf32, #tpu.memory_space<vmem_shared>>
      tpu.wait_dma2 semaphore(%run_scoped3A_121 : memref<!tpu.dma_semaphore, #tpu.memory_space<semaphore_mem>>) src(%arg11 : memref<25x64xf32, #tpu.memory_space<vmem>>) dst(%dma_wait3A_127 : memref<25x64xf32, #tpu.memory_space<vmem_shared>>)
      tpu.yield
    }) : () -> ()
    %mul3A_81 = arith.constant 625 : i32
    %mul3A_82 = arith.muli %arg1, %mul3A_81 : i32
    %add3A_83 = arith.constant 450 : i32
    %add3A_84 = arith.addi %mul3A_82, %add3A_83 : i32
    "tpu.region"() ({
      %run_scoped3A_121 = tpu.sem_alloc : memref<!tpu.dma_semaphore, #tpu.memory_space<semaphore_mem>>
      %dma_start3A = arith.constant 0 : i32
      %dma_start3A_122 = tpu.memref_slice %arg12[%add3A_84, %dma_start3A] : memref<10000x64xf32, #tpu.memory_space<vmem_shared>> -> memref<25x64xf32, #tpu.memory_space<vmem_shared>>
      %dma_start3A_123 = arith.constant 0 : i32
      %dma_start3A_124 = tpu.memref_slice %arg12[%add3A_84, %dma_start3A_123] : memref<10000x64xf32, #tpu.memory_space<vmem_shared>> -> memref<25x64xf32, #tpu.memory_space<vmem_shared>>
      tpu.enqueue_dma source(%arg11 : memref<25x64xf32, #tpu.memory_space<vmem>>) target(%dma_start3A_124 : memref<25x64xf32, #tpu.memory_space<vmem_shared>>) target_semaphore(%run_scoped3A_121 : memref<!tpu.dma_semaphore, #tpu.memory_space<semaphore_mem>>)
      %dma_wait3A = arith.constant 0 : i32
      %dma_wait3A_125 = tpu.memref_slice %arg12[%add3A_84, %dma_wait3A] : memref<10000x64xf32, #tpu.memory_space<vmem_shared>> -> memref<25x64xf32, #tpu.memory_space<vmem_shared>>
      %dma_wait3A_126 = arith.constant 0 : i32
      %dma_wait3A_127 = tpu.memref_slice %arg12[%add3A_84, %dma_wait3A_126] : memref<10000x64xf32, #tpu.memory_space<vmem_shared>> -> memref<25x64xf32, #tpu.memory_space<vmem_shared>>
      tpu.wait_dma2 semaphore(%run_scoped3A_121 : memref<!tpu.dma_semaphore, #tpu.memory_space<semaphore_mem>>) src(%arg11 : memref<25x64xf32, #tpu.memory_space<vmem>>) dst(%dma_wait3A_127 : memref<25x64xf32, #tpu.memory_space<vmem_shared>>)
      tpu.yield
    }) : () -> ()
    %mul3A_85 = arith.constant 625 : i32
    %mul3A_86 = arith.muli %arg1, %mul3A_85 : i32
    %add3A_87 = arith.constant 475 : i32
    %add3A_88 = arith.addi %mul3A_86, %add3A_87 : i32
    "tpu.region"() ({
      %run_scoped3A_121 = tpu.sem_alloc : memref<!tpu.dma_semaphore, #tpu.memory_space<semaphore_mem>>
      %dma_start3A = arith.constant 0 : i32
      %dma_start3A_122 = tpu.memref_slice %arg12[%add3A_88, %dma_start3A] : memref<10000x64xf32, #tpu.memory_space<vmem_shared>> -> memref<25x64xf32, #tpu.memory_space<vmem_shared>>
      %dma_start3A_123 = arith.constant 0 : i32
      %dma_start3A_124 = tpu.memref_slice %arg12[%add3A_88, %dma_start3A_123] : memref<10000x64xf32, #tpu.memory_space<vmem_shared>> -> memref<25x64xf32, #tpu.memory_space<vmem_shared>>
      tpu.enqueue_dma source(%arg11 : memref<25x64xf32, #tpu.memory_space<vmem>>) target(%dma_start3A_124 : memref<25x64xf32, #tpu.memory_space<vmem_shared>>) target_semaphore(%run_scoped3A_121 : memref<!tpu.dma_semaphore, #tpu.memory_space<semaphore_mem>>)
      %dma_wait3A = arith.constant 0 : i32
      %dma_wait3A_125 = tpu.memref_slice %arg12[%add3A_88, %dma_wait3A] : memref<10000x64xf32, #tpu.memory_space<vmem_shared>> -> memref<25x64xf32, #tpu.memory_space<vmem_shared>>
      %dma_wait3A_126 = arith.constant 0 : i32
      %dma_wait3A_127 = tpu.memref_slice %arg12[%add3A_88, %dma_wait3A_126] : memref<10000x64xf32, #tpu.memory_space<vmem_shared>> -> memref<25x64xf32, #tpu.memory_space<vmem_shared>>
      tpu.wait_dma2 semaphore(%run_scoped3A_121 : memref<!tpu.dma_semaphore, #tpu.memory_space<semaphore_mem>>) src(%arg11 : memref<25x64xf32, #tpu.memory_space<vmem>>) dst(%dma_wait3A_127 : memref<25x64xf32, #tpu.memory_space<vmem_shared>>)
      tpu.yield
    }) : () -> ()
    %mul3A_89 = arith.constant 625 : i32
    %mul3A_90 = arith.muli %arg1, %mul3A_89 : i32
    %add3A_91 = arith.constant 500 : i32
    %add3A_92 = arith.addi %mul3A_90, %add3A_91 : i32
    "tpu.region"() ({
      %run_scoped3A_121 = tpu.sem_alloc : memref<!tpu.dma_semaphore, #tpu.memory_space<semaphore_mem>>
      %dma_start3A = arith.constant 0 : i32
      %dma_start3A_122 = tpu.memref_slice %arg12[%add3A_92, %dma_start3A] : memref<10000x64xf32, #tpu.memory_space<vmem_shared>> -> memref<25x64xf32, #tpu.memory_space<vmem_shared>>
      %dma_start3A_123 = arith.constant 0 : i32
      %dma_start3A_124 = tpu.memref_slice %arg12[%add3A_92, %dma_start3A_123] : memref<10000x64xf32, #tpu.memory_space<vmem_shared>> -> memref<25x64xf32, #tpu.memory_space<vmem_shared>>
      tpu.enqueue_dma source(%arg11 : memref<25x64xf32, #tpu.memory_space<vmem>>) target(%dma_start3A_124 : memref<25x64xf32, #tpu.memory_space<vmem_shared>>) target_semaphore(%run_scoped3A_121 : memref<!tpu.dma_semaphore, #tpu.memory_space<semaphore_mem>>)
      %dma_wait3A = arith.constant 0 : i32
      %dma_wait3A_125 = tpu.memref_slice %arg12[%add3A_92, %dma_wait3A] : memref<10000x64xf32, #tpu.memory_space<vmem_shared>> -> memref<25x64xf32, #tpu.memory_space<vmem_shared>>
      %dma_wait3A_126 = arith.constant 0 : i32
      %dma_wait3A_127 = tpu.memref_slice %arg12[%add3A_92, %dma_wait3A_126] : memref<10000x64xf32, #tpu.memory_space<vmem_shared>> -> memref<25x64xf32, #tpu.memory_space<vmem_shared>>
      tpu.wait_dma2 semaphore(%run_scoped3A_121 : memref<!tpu.dma_semaphore, #tpu.memory_space<semaphore_mem>>) src(%arg11 : memref<25x64xf32, #tpu.memory_space<vmem>>) dst(%dma_wait3A_127 : memref<25x64xf32, #tpu.memory_space<vmem_shared>>)
      tpu.yield
    }) : () -> ()
    %mul3A_93 = arith.constant 625 : i32
    %mul3A_94 = arith.muli %arg1, %mul3A_93 : i32
    %add3A_95 = arith.constant 525 : i32
    %add3A_96 = arith.addi %mul3A_94, %add3A_95 : i32
    "tpu.region"() ({
      %run_scoped3A_121 = tpu.sem_alloc : memref<!tpu.dma_semaphore, #tpu.memory_space<semaphore_mem>>
      %dma_start3A = arith.constant 0 : i32
      %dma_start3A_122 = tpu.memref_slice %arg12[%add3A_96, %dma_start3A] : memref<10000x64xf32, #tpu.memory_space<vmem_shared>> -> memref<25x64xf32, #tpu.memory_space<vmem_shared>>
      %dma_start3A_123 = arith.constant 0 : i32
      %dma_start3A_124 = tpu.memref_slice %arg12[%add3A_96, %dma_start3A_123] : memref<10000x64xf32, #tpu.memory_space<vmem_shared>> -> memref<25x64xf32, #tpu.memory_space<vmem_shared>>
      tpu.enqueue_dma source(%arg11 : memref<25x64xf32, #tpu.memory_space<vmem>>) target(%dma_start3A_124 : memref<25x64xf32, #tpu.memory_space<vmem_shared>>) target_semaphore(%run_scoped3A_121 : memref<!tpu.dma_semaphore, #tpu.memory_space<semaphore_mem>>)
      %dma_wait3A = arith.constant 0 : i32
      %dma_wait3A_125 = tpu.memref_slice %arg12[%add3A_96, %dma_wait3A] : memref<10000x64xf32, #tpu.memory_space<vmem_shared>> -> memref<25x64xf32, #tpu.memory_space<vmem_shared>>
      %dma_wait3A_126 = arith.constant 0 : i32
      %dma_wait3A_127 = tpu.memref_slice %arg12[%add3A_96, %dma_wait3A_126] : memref<10000x64xf32, #tpu.memory_space<vmem_shared>> -> memref<25x64xf32, #tpu.memory_space<vmem_shared>>
      tpu.wait_dma2 semaphore(%run_scoped3A_121 : memref<!tpu.dma_semaphore, #tpu.memory_space<semaphore_mem>>) src(%arg11 : memref<25x64xf32, #tpu.memory_space<vmem>>) dst(%dma_wait3A_127 : memref<25x64xf32, #tpu.memory_space<vmem_shared>>)
      tpu.yield
    }) : () -> ()
    %mul3A_97 = arith.constant 625 : i32
    %mul3A_98 = arith.muli %arg1, %mul3A_97 : i32
    %add3A_99 = arith.constant 550 : i32
    %add3A_100 = arith.addi %mul3A_98, %add3A_99 : i32
    "tpu.region"() ({
      %run_scoped3A_121 = tpu.sem_alloc : memref<!tpu.dma_semaphore, #tpu.memory_space<semaphore_mem>>
      %dma_start3A = arith.constant 0 : i32
      %dma_start3A_122 = tpu.memref_slice %arg12[%add3A_100, %dma_start3A] : memref<10000x64xf32, #tpu.memory_space<vmem_shared>> -> memref<25x64xf32, #tpu.memory_space<vmem_shared>>
      %dma_start3A_123 = arith.constant 0 : i32
      %dma_start3A_124 = tpu.memref_slice %arg12[%add3A_100, %dma_start3A_123] : memref<10000x64xf32, #tpu.memory_space<vmem_shared>> -> memref<25x64xf32, #tpu.memory_space<vmem_shared>>
      tpu.enqueue_dma source(%arg11 : memref<25x64xf32, #tpu.memory_space<vmem>>) target(%dma_start3A_124 : memref<25x64xf32, #tpu.memory_space<vmem_shared>>) target_semaphore(%run_scoped3A_121 : memref<!tpu.dma_semaphore, #tpu.memory_space<semaphore_mem>>)
      %dma_wait3A = arith.constant 0 : i32
      %dma_wait3A_125 = tpu.memref_slice %arg12[%add3A_100, %dma_wait3A] : memref<10000x64xf32, #tpu.memory_space<vmem_shared>> -> memref<25x64xf32, #tpu.memory_space<vmem_shared>>
      %dma_wait3A_126 = arith.constant 0 : i32
      %dma_wait3A_127 = tpu.memref_slice %arg12[%add3A_100, %dma_wait3A_126] : memref<10000x64xf32, #tpu.memory_space<vmem_shared>> -> memref<25x64xf32, #tpu.memory_space<vmem_shared>>
      tpu.wait_dma2 semaphore(%run_scoped3A_121 : memref<!tpu.dma_semaphore, #tpu.memory_space<semaphore_mem>>) src(%arg11 : memref<25x64xf32, #tpu.memory_space<vmem>>) dst(%dma_wait3A_127 : memref<25x64xf32, #tpu.memory_space<vmem_shared>>)
      tpu.yield
    }) : () -> ()
    %mul3A_101 = arith.constant 625 : i32
    %mul3A_102 = arith.muli %arg1, %mul3A_101 : i32
    %add3A_103 = arith.constant 575 : i32
    %add3A_104 = arith.addi %mul3A_102, %add3A_103 : i32
    "tpu.region"() ({
      %run_scoped3A_121 = tpu.sem_alloc : memref<!tpu.dma_semaphore, #tpu.memory_space<semaphore_mem>>
      %dma_start3A = arith.constant 0 : i32
      %dma_start3A_122 = tpu.memref_slice %arg12[%add3A_104, %dma_start3A] : memref<10000x64xf32, #tpu.memory_space<vmem_shared>> -> memref<25x64xf32, #tpu.memory_space<vmem_shared>>
      %dma_start3A_123 = arith.constant 0 : i32
      %dma_start3A_124 = tpu.memref_slice %arg12[%add3A_104, %dma_start3A_123] : memref<10000x64xf32, #tpu.memory_space<vmem_shared>> -> memref<25x64xf32, #tpu.memory_space<vmem_shared>>
      tpu.enqueue_dma source(%arg11 : memref<25x64xf32, #tpu.memory_space<vmem>>) target(%dma_start3A_124 : memref<25x64xf32, #tpu.memory_space<vmem_shared>>) target_semaphore(%run_scoped3A_121 : memref<!tpu.dma_semaphore, #tpu.memory_space<semaphore_mem>>)
      %dma_wait3A = arith.constant 0 : i32
      %dma_wait3A_125 = tpu.memref_slice %arg12[%add3A_104, %dma_wait3A] : memref<10000x64xf32, #tpu.memory_space<vmem_shared>> -> memref<25x64xf32, #tpu.memory_space<vmem_shared>>
      %dma_wait3A_126 = arith.constant 0 : i32
      %dma_wait3A_127 = tpu.memref_slice %arg12[%add3A_104, %dma_wait3A_126] : memref<10000x64xf32, #tpu.memory_space<vmem_shared>> -> memref<25x64xf32, #tpu.memory_space<vmem_shared>>
      tpu.wait_dma2 semaphore(%run_scoped3A_121 : memref<!tpu.dma_semaphore, #tpu.memory_space<semaphore_mem>>) src(%arg11 : memref<25x64xf32, #tpu.memory_space<vmem>>) dst(%dma_wait3A_127 : memref<25x64xf32, #tpu.memory_space<vmem_shared>>)
      tpu.yield
    }) : () -> ()
    %mul3A_105 = arith.constant 625 : i32
    %mul3A_106 = arith.muli %arg1, %mul3A_105 : i32
    %add3A_107 = arith.constant 600 : i32
    %add3A_108 = arith.addi %mul3A_106, %add3A_107 : i32
    "tpu.region"() ({
      %run_scoped3A_121 = tpu.sem_alloc : memref<!tpu.dma_semaphore, #tpu.memory_space<semaphore_mem>>
      %dma_start3A = arith.constant 0 : i32
      %dma_start3A_122 = tpu.memref_slice %arg12[%add3A_108, %dma_start3A] : memref<10000x64xf32, #tpu.memory_space<vmem_shared>> -> memref<25x64xf32, #tpu.memory_space<vmem_shared>>
      %dma_start3A_123 = arith.constant 0 : i32
      %dma_start3A_124 = tpu.memref_slice %arg12[%add3A_108, %dma_start3A_123] : memref<10000x64xf32, #tpu.memory_space<vmem_shared>> -> memref<25x64xf32, #tpu.memory_space<vmem_shared>>
      tpu.enqueue_dma source(%arg11 : memref<25x64xf32, #tpu.memory_space<vmem>>) target(%dma_start3A_124 : memref<25x64xf32, #tpu.memory_space<vmem_shared>>) target_semaphore(%run_scoped3A_121 : memref<!tpu.dma_semaphore, #tpu.memory_space<semaphore_mem>>)
      %dma_wait3A = arith.constant 0 : i32
      %dma_wait3A_125 = tpu.memref_slice %arg12[%add3A_108, %dma_wait3A] : memref<10000x64xf32, #tpu.memory_space<vmem_shared>> -> memref<25x64xf32, #tpu.memory_space<vmem_shared>>
      %dma_wait3A_126 = arith.constant 0 : i32
      %dma_wait3A_127 = tpu.memref_slice %arg12[%add3A_108, %dma_wait3A_126] : memref<10000x64xf32, #tpu.memory_space<vmem_shared>> -> memref<25x64xf32, #tpu.memory_space<vmem_shared>>
      tpu.wait_dma2 semaphore(%run_scoped3A_121 : memref<!tpu.dma_semaphore, #tpu.memory_space<semaphore_mem>>) src(%arg11 : memref<25x64xf32, #tpu.memory_space<vmem>>) dst(%dma_wait3A_127 : memref<25x64xf32, #tpu.memory_space<vmem_shared>>)
      tpu.yield
    }) : () -> ()
    %barrier3A = arith.constant 0 : index
    tpu.barrier barrier_id(%barrier3A)
    %eq3A = arith.constant 0 : i32
    %eq3A_109 = arith.cmpi eq, %sub3A_0, %eq3A : i32
    %convert_element_type3A = arith.extui %eq3A_109 : i1 to i32
    %cond3A = arith.constant 0 : i32
    %cond3A_110 = arith.cmpi ne, %convert_element_type3A, %cond3A : i32
    scf.if %cond3A_110 {
      %dma_start3A = arith.constant 0 : i32
      %dma_start3A_121 = arith.constant 0 : i32
      %dma_start3A_122 = arith.constant 0 : i32
      %dma_start3A_123 = arith.constant 0 : i32
      %dma_start3A_124 = arith.constant 0 : i32
      %dma_start3A_125 = tpu.memref_slice %arg10[%dma_start3A_121, %dma_start3A_123, %dma_start3A_124] : memref<4x160x64xf32, #tpu.memory_space<vmem>> -> memref<1x160x64xf32, #tpu.memory_space<vmem>>
      %dma_start3A_126 = tpu.memref_squeeze %dma_start3A_125 : memref<1x160x64xf32, #tpu.memory_space<vmem>> -> memref<160x64xf32, #tpu.memory_space<vmem>>
      %dma_start3A_127 = arith.constant 0 : i32
      %dma_start3A_128 = tpu.memref_slice %arg7[%dma_start3A, %dma_start3A_127] : memref<125x160xi32, #tpu.memory_space<vmem>> -> memref<1x160xi32, #tpu.memory_space<vmem>>
      %dma_start3A_129 = tpu.memref_squeeze %dma_start3A_128 : memref<1x160xi32, #tpu.memory_space<vmem>> -> memref<160xi32, #tpu.memory_space<vmem>>
      %dma_start3A_130 = arith.constant 0 : i32
      %dma_start3A_131 = arith.constant 0 : i32
      %dma_start3A_132 = tpu.memref_slice %arg3[%dma_start3A_130, %dma_start3A_131] : memref<10000x64xf32, #tpu.memory_space<hbm>> -> memref<10000x64xf32, #tpu.memory_space<hbm>>
      %dma_start3A_133 = tpu.memref_slice %arg13[%dma_start3A_122] : memref<4x!tpu.dma_semaphore, #tpu.memory_space<semaphore_mem>> -> memref<1x!tpu.dma_semaphore, #tpu.memory_space<semaphore_mem>>
      %dma_start3A_134 = tpu.memref_squeeze %dma_start3A_133 : memref<1x!tpu.dma_semaphore, #tpu.memory_space<semaphore_mem>> -> memref<!tpu.dma_semaphore, #tpu.memory_space<semaphore_mem>>
      tpu.enqueue_indirect_dma source(%dma_start3A_132 : memref<10000x64xf32, #tpu.memory_space<hbm>>) target(%dma_start3A_126 : memref<160x64xf32, #tpu.memory_space<vmem>>) offsets(%dma_start3A_129 : memref<160xi32, #tpu.memory_space<vmem>>) semaphore(%dma_start3A_134 : memref<!tpu.dma_semaphore, #tpu.memory_space<semaphore_mem>>)
      %dma_start3A_135 = arith.constant 1 : i32
      %dma_start3A_136 = arith.constant 1 : i32
      %dma_start3A_137 = arith.constant 1 : i32
      %dma_start3A_138 = arith.constant 0 : i32
      %dma_start3A_139 = arith.constant 0 : i32
      %dma_start3A_140 = tpu.memref_slice %arg10[%dma_start3A_136, %dma_start3A_138, %dma_start3A_139] : memref<4x160x64xf32, #tpu.memory_space<vmem>> -> memref<1x160x64xf32, #tpu.memory_space<vmem>>
      %dma_start3A_141 = tpu.memref_squeeze %dma_start3A_140 : memref<1x160x64xf32, #tpu.memory_space<vmem>> -> memref<160x64xf32, #tpu.memory_space<vmem>>
      %dma_start3A_142 = arith.constant 0 : i32
      %dma_start3A_143 = tpu.memref_slice %arg7[%dma_start3A_135, %dma_start3A_142] : memref<125x160xi32, #tpu.memory_space<vmem>> -> memref<1x160xi32, #tpu.memory_space<vmem>>
      %dma_start3A_144 = tpu.memref_squeeze %dma_start3A_143 : memref<1x160xi32, #tpu.memory_space<vmem>> -> memref<160xi32, #tpu.memory_space<vmem>>
      %dma_start3A_145 = arith.constant 0 : i32
      %dma_start3A_146 = arith.constant 0 : i32
      %dma_start3A_147 = tpu.memref_slice %arg3[%dma_start3A_145, %dma_start3A_146] : memref<10000x64xf32, #tpu.memory_space<hbm>> -> memref<10000x64xf32, #tpu.memory_space<hbm>>
      %dma_start3A_148 = tpu.memref_slice %arg13[%dma_start3A_137] : memref<4x!tpu.dma_semaphore, #tpu.memory_space<semaphore_mem>> -> memref<1x!tpu.dma_semaphore, #tpu.memory_space<semaphore_mem>>
      %dma_start3A_149 = tpu.memref_squeeze %dma_start3A_148 : memref<1x!tpu.dma_semaphore, #tpu.memory_space<semaphore_mem>> -> memref<!tpu.dma_semaphore, #tpu.memory_space<semaphore_mem>>
      tpu.enqueue_indirect_dma source(%dma_start3A_147 : memref<10000x64xf32, #tpu.memory_space<hbm>>) target(%dma_start3A_141 : memref<160x64xf32, #tpu.memory_space<vmem>>) offsets(%dma_start3A_144 : memref<160xi32, #tpu.memory_space<vmem>>) semaphore(%dma_start3A_149 : memref<!tpu.dma_semaphore, #tpu.memory_space<semaphore_mem>>)
      %dma_start3A_150 = arith.constant 2 : i32
      %dma_start3A_151 = arith.constant 2 : i32
      %dma_start3A_152 = arith.constant 2 : i32
      %dma_start3A_153 = arith.constant 0 : i32
      %dma_start3A_154 = arith.constant 0 : i32
      %dma_start3A_155 = tpu.memref_slice %arg10[%dma_start3A_151, %dma_start3A_153, %dma_start3A_154] : memref<4x160x64xf32, #tpu.memory_space<vmem>> -> memref<1x160x64xf32, #tpu.memory_space<vmem>>
      %dma_start3A_156 = tpu.memref_squeeze %dma_start3A_155 : memref<1x160x64xf32, #tpu.memory_space<vmem>> -> memref<160x64xf32, #tpu.memory_space<vmem>>
      %dma_start3A_157 = arith.constant 0 : i32
      %dma_start3A_158 = tpu.memref_slice %arg7[%dma_start3A_150, %dma_start3A_157] : memref<125x160xi32, #tpu.memory_space<vmem>> -> memref<1x160xi32, #tpu.memory_space<vmem>>
      %dma_start3A_159 = tpu.memref_squeeze %dma_start3A_158 : memref<1x160xi32, #tpu.memory_space<vmem>> -> memref<160xi32, #tpu.memory_space<vmem>>
      %dma_start3A_160 = arith.constant 0 : i32
      %dma_start3A_161 = arith.constant 0 : i32
      %dma_start3A_162 = tpu.memref_slice %arg3[%dma_start3A_160, %dma_start3A_161] : memref<10000x64xf32, #tpu.memory_space<hbm>> -> memref<10000x64xf32, #tpu.memory_space<hbm>>
      %dma_start3A_163 = tpu.memref_slice %arg13[%dma_start3A_152] : memref<4x!tpu.dma_semaphore, #tpu.memory_space<semaphore_mem>> -> memref<1x!tpu.dma_semaphore, #tpu.memory_space<semaphore_mem>>
      %dma_start3A_164 = tpu.memref_squeeze %dma_start3A_163 : memref<1x!tpu.dma_semaphore, #tpu.memory_space<semaphore_mem>> -> memref<!tpu.dma_semaphore, #tpu.memory_space<semaphore_mem>>
      tpu.enqueue_indirect_dma source(%dma_start3A_162 : memref<10000x64xf32, #tpu.memory_space<hbm>>) target(%dma_start3A_156 : memref<160x64xf32, #tpu.memory_space<vmem>>) offsets(%dma_start3A_159 : memref<160xi32, #tpu.memory_space<vmem>>) semaphore(%dma_start3A_164 : memref<!tpu.dma_semaphore, #tpu.memory_space<semaphore_mem>>)
      %dma_start3A_165 = arith.constant 3 : i32
      %dma_start3A_166 = arith.constant 3 : i32
      %dma_start3A_167 = arith.constant 3 : i32
      %dma_start3A_168 = arith.constant 0 : i32
      %dma_start3A_169 = arith.constant 0 : i32
      %dma_start3A_170 = tpu.memref_slice %arg10[%dma_start3A_166, %dma_start3A_168, %dma_start3A_169] : memref<4x160x64xf32, #tpu.memory_space<vmem>> -> memref<1x160x64xf32, #tpu.memory_space<vmem>>
      %dma_start3A_171 = tpu.memref_squeeze %dma_start3A_170 : memref<1x160x64xf32, #tpu.memory_space<vmem>> -> memref<160x64xf32, #tpu.memory_space<vmem>>
      %dma_start3A_172 = arith.constant 0 : i32
      %dma_start3A_173 = tpu.memref_slice %arg7[%dma_start3A_165, %dma_start3A_172] : memref<125x160xi32, #tpu.memory_space<vmem>> -> memref<1x160xi32, #tpu.memory_space<vmem>>
      %dma_start3A_174 = tpu.memref_squeeze %dma_start3A_173 : memref<1x160xi32, #tpu.memory_space<vmem>> -> memref<160xi32, #tpu.memory_space<vmem>>
      %dma_start3A_175 = arith.constant 0 : i32
      %dma_start3A_176 = arith.constant 0 : i32
      %dma_start3A_177 = tpu.memref_slice %arg3[%dma_start3A_175, %dma_start3A_176] : memref<10000x64xf32, #tpu.memory_space<hbm>> -> memref<10000x64xf32, #tpu.memory_space<hbm>>
      %dma_start3A_178 = tpu.memref_slice %arg13[%dma_start3A_167] : memref<4x!tpu.dma_semaphore, #tpu.memory_space<semaphore_mem>> -> memref<1x!tpu.dma_semaphore, #tpu.memory_space<semaphore_mem>>
      %dma_start3A_179 = tpu.memref_squeeze %dma_start3A_178 : memref<1x!tpu.dma_semaphore, #tpu.memory_space<semaphore_mem>> -> memref<!tpu.dma_semaphore, #tpu.memory_space<semaphore_mem>>
      tpu.enqueue_indirect_dma source(%dma_start3A_177 : memref<10000x64xf32, #tpu.memory_space<hbm>>) target(%dma_start3A_171 : memref<160x64xf32, #tpu.memory_space<vmem>>) offsets(%dma_start3A_174 : memref<160xi32, #tpu.memory_space<vmem>>) semaphore(%dma_start3A_179 : memref<!tpu.dma_semaphore, #tpu.memory_space<semaphore_mem>>)
      %scan3A_180 = arith.constant 0 : i32
      %scan3A_181 = arith.constant 0 : i32
      %scan3A_182 = arith.constant 31 : i32
      %scan3A_183 = arith.addi %scan3A_181, %scan3A_182 : i32
      %scan3A_184 = arith.constant 1 : i32
      scf.for %scan3A_230 = %scan3A_181 to %scan3A_183 step %scan3A_184  : i32 {
        %mul3A_231 = arith.constant 4 : i32
        %mul3A_232 = arith.muli %scan3A_230, %mul3A_231 : i32
        %add3A_233 = arith.constant 0 : i32
        %add3A_234 = arith.addi %mul3A_232, %add3A_233 : i32
        %dma_wait3A_235 = arith.constant 0 : i32
        %dma_wait3A_236 = arith.constant 0 : i32
        %dma_wait3A_237 = arith.constant 0 : i32
        %dma_wait3A_238 = arith.constant 0 : i32
        %dma_wait3A_239 = tpu.memref_slice %arg10[%dma_wait3A_235, %dma_wait3A_237, %dma_wait3A_238] : memref<4x160x64xf32, #tpu.memory_space<vmem>> -> memref<1x160x64xf32, #tpu.memory_space<vmem>>
        %dma_wait3A_240 = tpu.memref_squeeze %dma_wait3A_239 : memref<1x160x64xf32, #tpu.memory_space<vmem>> -> memref<160x64xf32, #tpu.memory_space<vmem>>
        %dma_wait3A_241 = arith.constant 0 : i32
        %dma_wait3A_242 = tpu.memref_slice %arg7[%add3A_234, %dma_wait3A_241] : memref<125x160xi32, #tpu.memory_space<vmem>> -> memref<1x160xi32, #tpu.memory_space<vmem>>
        %dma_wait3A_243 = tpu.memref_squeeze %dma_wait3A_242 : memref<1x160xi32, #tpu.memory_space<vmem>> -> memref<160xi32, #tpu.memory_space<vmem>>
        %dma_wait3A_244 = arith.constant 0 : i32
        %dma_wait3A_245 = arith.constant 0 : i32
        %dma_wait3A_246 = tpu.memref_slice %arg3[%dma_wait3A_244, %dma_wait3A_245] : memref<10000x64xf32, #tpu.memory_space<hbm>> -> memref<10000x64xf32, #tpu.memory_space<hbm>>
        %dma_wait3A_247 = tpu.memref_slice %arg13[%dma_wait3A_236] : memref<4x!tpu.dma_semaphore, #tpu.memory_space<semaphore_mem>> -> memref<1x!tpu.dma_semaphore, #tpu.memory_space<semaphore_mem>>
        %dma_wait3A_248 = tpu.memref_squeeze %dma_wait3A_247 : memref<1x!tpu.dma_semaphore, #tpu.memory_space<semaphore_mem>> -> memref<!tpu.dma_semaphore, #tpu.memory_space<semaphore_mem>>
        tpu.wait_indirect_dma semaphore(%dma_wait3A_248 : memref<!tpu.dma_semaphore, #tpu.memory_space<semaphore_mem>>) src(%dma_wait3A_246 : memref<10000x64xf32, #tpu.memory_space<hbm>>) dst(%dma_wait3A_240 : memref<160x64xf32, #tpu.memory_space<vmem>>)
        %add3A_249 = arith.constant 0 : i32
        %add3A_250 = arith.addi %mul3A_232, %add3A_249 : i32
        %dma_start3A_251 = arith.constant 0 : i32
        %dma_start3A_252 = arith.constant 0 : i32
        %dma_start3A_253 = arith.constant 0 : i32
        %dma_start3A_254 = arith.constant 0 : i32
        %dma_start3A_255 = tpu.memref_slice %arg10[%dma_start3A_251, %dma_start3A_253, %dma_start3A_254] : memref<4x160x64xf32, #tpu.memory_space<vmem>> -> memref<1x160x64xf32, #tpu.memory_space<vmem>>
        %dma_start3A_256 = tpu.memref_squeeze %dma_start3A_255 : memref<1x160x64xf32, #tpu.memory_space<vmem>> -> memref<160x64xf32, #tpu.memory_space<vmem>>
        %dma_start3A_257 = arith.constant 0 : i32
        %dma_start3A_258 = tpu.memref_slice %arg8[%add3A_250, %dma_start3A_257] : memref<125x160xi32, #tpu.memory_space<vmem>> -> memref<1x160xi32, #tpu.memory_space<vmem>>
        %dma_start3A_259 = tpu.memref_squeeze %dma_start3A_258 : memref<1x160xi32, #tpu.memory_space<vmem>> -> memref<160xi32, #tpu.memory_space<vmem>>
        %dma_start3A_260 = arith.constant 0 : i32
        %dma_start3A_261 = arith.constant 0 : i32
        %dma_start3A_262 = tpu.memref_slice %arg12[%dma_start3A_260, %dma_start3A_261] : memref<10000x64xf32, #tpu.memory_space<vmem_shared>> -> memref<10000x64xf32, #tpu.memory_space<vmem_shared>>
        %dma_start3A_263 = tpu.memref_slice %arg14[%dma_start3A_252] : memref<4x!tpu.dma_semaphore, #tpu.memory_space<semaphore_mem>> -> memref<1x!tpu.dma_semaphore, #tpu.memory_space<semaphore_mem>>
        %dma_start3A_264 = tpu.memref_squeeze %dma_start3A_263 : memref<1x!tpu.dma_semaphore, #tpu.memory_space<semaphore_mem>> -> memref<!tpu.dma_semaphore, #tpu.memory_space<semaphore_mem>>
        tpu.enqueue_indirect_dma source(%dma_start3A_256 : memref<160x64xf32, #tpu.memory_space<vmem>>) target(%dma_start3A_262 : memref<10000x64xf32, #tpu.memory_space<vmem_shared>>) offsets(%dma_start3A_259 : memref<160xi32, #tpu.memory_space<vmem>>) semaphore(%dma_start3A_264 : memref<!tpu.dma_semaphore, #tpu.memory_space<semaphore_mem>>) {add = true}
        %add3A_265 = arith.constant 1 : i32
        %add3A_266 = arith.addi %mul3A_232, %add3A_265 : i32
        %dma_wait3A_267 = arith.constant 1 : i32
        %dma_wait3A_268 = arith.constant 1 : i32
        %dma_wait3A_269 = arith.constant 0 : i32
        %dma_wait3A_270 = arith.constant 0 : i32
        %dma_wait3A_271 = tpu.memref_slice %arg10[%dma_wait3A_267, %dma_wait3A_269, %dma_wait3A_270] : memref<4x160x64xf32, #tpu.memory_space<vmem>> -> memref<1x160x64xf32, #tpu.memory_space<vmem>>
        %dma_wait3A_272 = tpu.memref_squeeze %dma_wait3A_271 : memref<1x160x64xf32, #tpu.memory_space<vmem>> -> memref<160x64xf32, #tpu.memory_space<vmem>>
        %dma_wait3A_273 = arith.constant 0 : i32
        %dma_wait3A_274 = tpu.memref_slice %arg7[%add3A_266, %dma_wait3A_273] : memref<125x160xi32, #tpu.memory_space<vmem>> -> memref<1x160xi32, #tpu.memory_space<vmem>>
        %dma_wait3A_275 = tpu.memref_squeeze %dma_wait3A_274 : memref<1x160xi32, #tpu.memory_space<vmem>> -> memref<160xi32, #tpu.memory_space<vmem>>
        %dma_wait3A_276 = arith.constant 0 : i32
        %dma_wait3A_277 = arith.constant 0 : i32
        %dma_wait3A_278 = tpu.memref_slice %arg3[%dma_wait3A_276, %dma_wait3A_277] : memref<10000x64xf32, #tpu.memory_space<hbm>> -> memref<10000x64xf32, #tpu.memory_space<hbm>>
        %dma_wait3A_279 = tpu.memref_slice %arg13[%dma_wait3A_268] : memref<4x!tpu.dma_semaphore, #tpu.memory_space<semaphore_mem>> -> memref<1x!tpu.dma_semaphore, #tpu.memory_space<semaphore_mem>>
        %dma_wait3A_280 = tpu.memref_squeeze %dma_wait3A_279 : memref<1x!tpu.dma_semaphore, #tpu.memory_space<semaphore_mem>> -> memref<!tpu.dma_semaphore, #tpu.memory_space<semaphore_mem>>
        tpu.wait_indirect_dma semaphore(%dma_wait3A_280 : memref<!tpu.dma_semaphore, #tpu.memory_space<semaphore_mem>>) src(%dma_wait3A_278 : memref<10000x64xf32, #tpu.memory_space<hbm>>) dst(%dma_wait3A_272 : memref<160x64xf32, #tpu.memory_space<vmem>>)
        %add3A_281 = arith.constant 1 : i32
        %add3A_282 = arith.addi %mul3A_232, %add3A_281 : i32
        %dma_start3A_283 = arith.constant 1 : i32
        %dma_start3A_284 = arith.constant 1 : i32
        %dma_start3A_285 = arith.constant 0 : i32
        %dma_start3A_286 = arith.constant 0 : i32
        %dma_start3A_287 = tpu.memref_slice %arg10[%dma_start3A_283, %dma_start3A_285, %dma_start3A_286] : memref<4x160x64xf32, #tpu.memory_space<vmem>> -> memref<1x160x64xf32, #tpu.memory_space<vmem>>
        %dma_start3A_288 = tpu.memref_squeeze %dma_start3A_287 : memref<1x160x64xf32, #tpu.memory_space<vmem>> -> memref<160x64xf32, #tpu.memory_space<vmem>>
        %dma_start3A_289 = arith.constant 0 : i32
        %dma_start3A_290 = tpu.memref_slice %arg8[%add3A_282, %dma_start3A_289] : memref<125x160xi32, #tpu.memory_space<vmem>> -> memref<1x160xi32, #tpu.memory_space<vmem>>
        %dma_start3A_291 = tpu.memref_squeeze %dma_start3A_290 : memref<1x160xi32, #tpu.memory_space<vmem>> -> memref<160xi32, #tpu.memory_space<vmem>>
        %dma_start3A_292 = arith.constant 0 : i32
        %dma_start3A_293 = arith.constant 0 : i32
        %dma_start3A_294 = tpu.memref_slice %arg12[%dma_start3A_292, %dma_start3A_293] : memref<10000x64xf32, #tpu.memory_space<vmem_shared>> -> memref<10000x64xf32, #tpu.memory_space<vmem_shared>>
        %dma_start3A_295 = tpu.memref_slice %arg14[%dma_start3A_284] : memref<4x!tpu.dma_semaphore, #tpu.memory_space<semaphore_mem>> -> memref<1x!tpu.dma_semaphore, #tpu.memory_space<semaphore_mem>>
        %dma_start3A_296 = tpu.memref_squeeze %dma_start3A_295 : memref<1x!tpu.dma_semaphore, #tpu.memory_space<semaphore_mem>> -> memref<!tpu.dma_semaphore, #tpu.memory_space<semaphore_mem>>
        tpu.enqueue_indirect_dma source(%dma_start3A_288 : memref<160x64xf32, #tpu.memory_space<vmem>>) target(%dma_start3A_294 : memref<10000x64xf32, #tpu.memory_space<vmem_shared>>) offsets(%dma_start3A_291 : memref<160xi32, #tpu.memory_space<vmem>>) semaphore(%dma_start3A_296 : memref<!tpu.dma_semaphore, #tpu.memory_space<semaphore_mem>>) {add = true}
        %add3A_297 = arith.constant 2 : i32
        %add3A_298 = arith.addi %mul3A_232, %add3A_297 : i32
        %dma_wait3A_299 = arith.constant 2 : i32
        %dma_wait3A_300 = arith.constant 2 : i32
        %dma_wait3A_301 = arith.constant 0 : i32
        %dma_wait3A_302 = arith.constant 0 : i32
        %dma_wait3A_303 = tpu.memref_slice %arg10[%dma_wait3A_299, %dma_wait3A_301, %dma_wait3A_302] : memref<4x160x64xf32, #tpu.memory_space<vmem>> -> memref<1x160x64xf32, #tpu.memory_space<vmem>>
        %dma_wait3A_304 = tpu.memref_squeeze %dma_wait3A_303 : memref<1x160x64xf32, #tpu.memory_space<vmem>> -> memref<160x64xf32, #tpu.memory_space<vmem>>
        %dma_wait3A_305 = arith.constant 0 : i32
        %dma_wait3A_306 = tpu.memref_slice %arg7[%add3A_298, %dma_wait3A_305] : memref<125x160xi32, #tpu.memory_space<vmem>> -> memref<1x160xi32, #tpu.memory_space<vmem>>
        %dma_wait3A_307 = tpu.memref_squeeze %dma_wait3A_306 : memref<1x160xi32, #tpu.memory_space<vmem>> -> memref<160xi32, #tpu.memory_space<vmem>>
        %dma_wait3A_308 = arith.constant 0 : i32
        %dma_wait3A_309 = arith.constant 0 : i32
        %dma_wait3A_310 = tpu.memref_slice %arg3[%dma_wait3A_308, %dma_wait3A_309] : memref<10000x64xf32, #tpu.memory_space<hbm>> -> memref<10000x64xf32, #tpu.memory_space<hbm>>
        %dma_wait3A_311 = tpu.memref_slice %arg13[%dma_wait3A_300] : memref<4x!tpu.dma_semaphore, #tpu.memory_space<semaphore_mem>> -> memref<1x!tpu.dma_semaphore, #tpu.memory_space<semaphore_mem>>
        %dma_wait3A_312 = tpu.memref_squeeze %dma_wait3A_311 : memref<1x!tpu.dma_semaphore, #tpu.memory_space<semaphore_mem>> -> memref<!tpu.dma_semaphore, #tpu.memory_space<semaphore_mem>>
        tpu.wait_indirect_dma semaphore(%dma_wait3A_312 : memref<!tpu.dma_semaphore, #tpu.memory_space<semaphore_mem>>) src(%dma_wait3A_310 : memref<10000x64xf32, #tpu.memory_space<hbm>>) dst(%dma_wait3A_304 : memref<160x64xf32, #tpu.memory_space<vmem>>)
        %add3A_313 = arith.constant 2 : i32
        %add3A_314 = arith.addi %mul3A_232, %add3A_313 : i32
        %dma_start3A_315 = arith.constant 2 : i32
        %dma_start3A_316 = arith.constant 2 : i32
        %dma_start3A_317 = arith.constant 0 : i32
        %dma_start3A_318 = arith.constant 0 : i32
        %dma_start3A_319 = tpu.memref_slice %arg10[%dma_start3A_315, %dma_start3A_317, %dma_start3A_318] : memref<4x160x64xf32, #tpu.memory_space<vmem>> -> memref<1x160x64xf32, #tpu.memory_space<vmem>>
        %dma_start3A_320 = tpu.memref_squeeze %dma_start3A_319 : memref<1x160x64xf32, #tpu.memory_space<vmem>> -> memref<160x64xf32, #tpu.memory_space<vmem>>
        %dma_start3A_321 = arith.constant 0 : i32
        %dma_start3A_322 = tpu.memref_slice %arg8[%add3A_314, %dma_start3A_321] : memref<125x160xi32, #tpu.memory_space<vmem>> -> memref<1x160xi32, #tpu.memory_space<vmem>>
        %dma_start3A_323 = tpu.memref_squeeze %dma_start3A_322 : memref<1x160xi32, #tpu.memory_space<vmem>> -> memref<160xi32, #tpu.memory_space<vmem>>
        %dma_start3A_324 = arith.constant 0 : i32
        %dma_start3A_325 = arith.constant 0 : i32
        %dma_start3A_326 = tpu.memref_slice %arg12[%dma_start3A_324, %dma_start3A_325] : memref<10000x64xf32, #tpu.memory_space<vmem_shared>> -> memref<10000x64xf32, #tpu.memory_space<vmem_shared>>
        %dma_start3A_327 = tpu.memref_slice %arg14[%dma_start3A_316] : memref<4x!tpu.dma_semaphore, #tpu.memory_space<semaphore_mem>> -> memref<1x!tpu.dma_semaphore, #tpu.memory_space<semaphore_mem>>
        %dma_start3A_328 = tpu.memref_squeeze %dma_start3A_327 : memref<1x!tpu.dma_semaphore, #tpu.memory_space<semaphore_mem>> -> memref<!tpu.dma_semaphore, #tpu.memory_space<semaphore_mem>>
        tpu.enqueue_indirect_dma source(%dma_start3A_320 : memref<160x64xf32, #tpu.memory_space<vmem>>) target(%dma_start3A_326 : memref<10000x64xf32, #tpu.memory_space<vmem_shared>>) offsets(%dma_start3A_323 : memref<160xi32, #tpu.memory_space<vmem>>) semaphore(%dma_start3A_328 : memref<!tpu.dma_semaphore, #tpu.memory_space<semaphore_mem>>) {add = true}
        %add3A_329 = arith.constant 3 : i32
        %add3A_330 = arith.addi %mul3A_232, %add3A_329 : i32
        %dma_wait3A_331 = arith.constant 3 : i32
        %dma_wait3A_332 = arith.constant 3 : i32
        %dma_wait3A_333 = arith.constant 0 : i32
        %dma_wait3A_334 = arith.constant 0 : i32
        %dma_wait3A_335 = tpu.memref_slice %arg10[%dma_wait3A_331, %dma_wait3A_333, %dma_wait3A_334] : memref<4x160x64xf32, #tpu.memory_space<vmem>> -> memref<1x160x64xf32, #tpu.memory_space<vmem>>
        %dma_wait3A_336 = tpu.memref_squeeze %dma_wait3A_335 : memref<1x160x64xf32, #tpu.memory_space<vmem>> -> memref<160x64xf32, #tpu.memory_space<vmem>>
        %dma_wait3A_337 = arith.constant 0 : i32
        %dma_wait3A_338 = tpu.memref_slice %arg7[%add3A_330, %dma_wait3A_337] : memref<125x160xi32, #tpu.memory_space<vmem>> -> memref<1x160xi32, #tpu.memory_space<vmem>>
        %dma_wait3A_339 = tpu.memref_squeeze %dma_wait3A_338 : memref<1x160xi32, #tpu.memory_space<vmem>> -> memref<160xi32, #tpu.memory_space<vmem>>
        %dma_wait3A_340 = arith.constant 0 : i32
        %dma_wait3A_341 = arith.constant 0 : i32
        %dma_wait3A_342 = tpu.memref_slice %arg3[%dma_wait3A_340, %dma_wait3A_341] : memref<10000x64xf32, #tpu.memory_space<hbm>> -> memref<10000x64xf32, #tpu.memory_space<hbm>>
        %dma_wait3A_343 = tpu.memref_slice %arg13[%dma_wait3A_332] : memref<4x!tpu.dma_semaphore, #tpu.memory_space<semaphore_mem>> -> memref<1x!tpu.dma_semaphore, #tpu.memory_space<semaphore_mem>>
        %dma_wait3A_344 = tpu.memref_squeeze %dma_wait3A_343 : memref<1x!tpu.dma_semaphore, #tpu.memory_space<semaphore_mem>> -> memref<!tpu.dma_semaphore, #tpu.memory_space<semaphore_mem>>
        tpu.wait_indirect_dma semaphore(%dma_wait3A_344 : memref<!tpu.dma_semaphore, #tpu.memory_space<semaphore_mem>>) src(%dma_wait3A_342 : memref<10000x64xf32, #tpu.memory_space<hbm>>) dst(%dma_wait3A_336 : memref<160x64xf32, #tpu.memory_space<vmem>>)
        %add3A_345 = arith.constant 3 : i32
        %add3A_346 = arith.addi %mul3A_232, %add3A_345 : i32
        %dma_start3A_347 = arith.constant 3 : i32
        %dma_start3A_348 = arith.constant 3 : i32
        %dma_start3A_349 = arith.constant 0 : i32
        %dma_start3A_350 = arith.constant 0 : i32
        %dma_start3A_351 = tpu.memref_slice %arg10[%dma_start3A_347, %dma_start3A_349, %dma_start3A_350] : memref<4x160x64xf32, #tpu.memory_space<vmem>> -> memref<1x160x64xf32, #tpu.memory_space<vmem>>
        %dma_start3A_352 = tpu.memref_squeeze %dma_start3A_351 : memref<1x160x64xf32, #tpu.memory_space<vmem>> -> memref<160x64xf32, #tpu.memory_space<vmem>>
        %dma_start3A_353 = arith.constant 0 : i32
        %dma_start3A_354 = tpu.memref_slice %arg8[%add3A_346, %dma_start3A_353] : memref<125x160xi32, #tpu.memory_space<vmem>> -> memref<1x160xi32, #tpu.memory_space<vmem>>
        %dma_start3A_355 = tpu.memref_squeeze %dma_start3A_354 : memref<1x160xi32, #tpu.memory_space<vmem>> -> memref<160xi32, #tpu.memory_space<vmem>>
        %dma_start3A_356 = arith.constant 0 : i32
        %dma_start3A_357 = arith.constant 0 : i32
        %dma_start3A_358 = tpu.memref_slice %arg12[%dma_start3A_356, %dma_start3A_357] : memref<10000x64xf32, #tpu.memory_space<vmem_shared>> -> memref<10000x64xf32, #tpu.memory_space<vmem_shared>>
        %dma_start3A_359 = tpu.memref_slice %arg14[%dma_start3A_348] : memref<4x!tpu.dma_semaphore, #tpu.memory_space<semaphore_mem>> -> memref<1x!tpu.dma_semaphore, #tpu.memory_space<semaphore_mem>>
        %dma_start3A_360 = tpu.memref_squeeze %dma_start3A_359 : memref<1x!tpu.dma_semaphore, #tpu.memory_space<semaphore_mem>> -> memref<!tpu.dma_semaphore, #tpu.memory_space<semaphore_mem>>
        tpu.enqueue_indirect_dma source(%dma_start3A_352 : memref<160x64xf32, #tpu.memory_space<vmem>>) target(%dma_start3A_358 : memref<10000x64xf32, #tpu.memory_space<vmem_shared>>) offsets(%dma_start3A_355 : memref<160xi32, #tpu.memory_space<vmem>>) semaphore(%dma_start3A_360 : memref<!tpu.dma_semaphore, #tpu.memory_space<semaphore_mem>>) {add = true}
        %add3A_361 = arith.constant 0 : i32
        %add3A_362 = arith.addi %mul3A_232, %add3A_361 : i32
        %dma_wait3A_363 = arith.constant 0 : i32
        %dma_wait3A_364 = arith.constant 0 : i32
        %dma_wait3A_365 = arith.constant 0 : i32
        %dma_wait3A_366 = arith.constant 0 : i32
        %dma_wait3A_367 = tpu.memref_slice %arg10[%dma_wait3A_363, %dma_wait3A_365, %dma_wait3A_366] : memref<4x160x64xf32, #tpu.memory_space<vmem>> -> memref<1x160x64xf32, #tpu.memory_space<vmem>>
        %dma_wait3A_368 = tpu.memref_squeeze %dma_wait3A_367 : memref<1x160x64xf32, #tpu.memory_space<vmem>> -> memref<160x64xf32, #tpu.memory_space<vmem>>
        %dma_wait3A_369 = arith.constant 0 : i32
        %dma_wait3A_370 = tpu.memref_slice %arg8[%add3A_362, %dma_wait3A_369] : memref<125x160xi32, #tpu.memory_space<vmem>> -> memref<1x160xi32, #tpu.memory_space<vmem>>
        %dma_wait3A_371 = tpu.memref_squeeze %dma_wait3A_370 : memref<1x160xi32, #tpu.memory_space<vmem>> -> memref<160xi32, #tpu.memory_space<vmem>>
        %dma_wait3A_372 = arith.constant 0 : i32
        %dma_wait3A_373 = arith.constant 0 : i32
        %dma_wait3A_374 = tpu.memref_slice %arg12[%dma_wait3A_372, %dma_wait3A_373] : memref<10000x64xf32, #tpu.memory_space<vmem_shared>> -> memref<10000x64xf32, #tpu.memory_space<vmem_shared>>
        %dma_wait3A_375 = tpu.memref_slice %arg14[%dma_wait3A_364] : memref<4x!tpu.dma_semaphore, #tpu.memory_space<semaphore_mem>> -> memref<1x!tpu.dma_semaphore, #tpu.memory_space<semaphore_mem>>
        %dma_wait3A_376 = tpu.memref_squeeze %dma_wait3A_375 : memref<1x!tpu.dma_semaphore, #tpu.memory_space<semaphore_mem>> -> memref<!tpu.dma_semaphore, #tpu.memory_space<semaphore_mem>>
        tpu.wait_indirect_dma semaphore(%dma_wait3A_376 : memref<!tpu.dma_semaphore, #tpu.memory_space<semaphore_mem>>) src(%dma_wait3A_368 : memref<160x64xf32, #tpu.memory_space<vmem>>) dst(%dma_wait3A_374 : memref<10000x64xf32, #tpu.memory_space<vmem_shared>>)
        %add3A_377 = arith.constant 4 : i32
        %add3A_378 = arith.addi %mul3A_232, %add3A_377 : i32
        %add3A_379 = arith.constant 0 : i32
        %add3A_380 = arith.addi %add3A_378, %add3A_379 : i32
        %lt3A = arith.constant 125 : i32
        %lt3A_381 = arith.cmpi slt, %add3A_380, %lt3A : i32
        %convert_element_type3A_382 = arith.extui %lt3A_381 : i1 to i32
        %cond3A_383 = arith.constant 0 : i32
        %cond3A_384 = arith.cmpi ne, %convert_element_type3A_382, %cond3A_383 : i32
        scf.if %cond3A_384 {
          %dma_start3A_460 = arith.constant 0 : i32
          %dma_start3A_461 = arith.constant 0 : i32
          %dma_start3A_462 = arith.constant 0 : i32
          %dma_start3A_463 = arith.constant 0 : i32
          %dma_start3A_464 = tpu.memref_slice %arg10[%dma_start3A_460, %dma_start3A_462, %dma_start3A_463] : memref<4x160x64xf32, #tpu.memory_space<vmem>> -> memref<1x160x64xf32, #tpu.memory_space<vmem>>
          %dma_start3A_465 = tpu.memref_squeeze %dma_start3A_464 : memref<1x160x64xf32, #tpu.memory_space<vmem>> -> memref<160x64xf32, #tpu.memory_space<vmem>>
          %dma_start3A_466 = arith.constant 0 : i32
          %dma_start3A_467 = tpu.memref_slice %arg7[%add3A_380, %dma_start3A_466] : memref<125x160xi32, #tpu.memory_space<vmem>> -> memref<1x160xi32, #tpu.memory_space<vmem>>
          %dma_start3A_468 = tpu.memref_squeeze %dma_start3A_467 : memref<1x160xi32, #tpu.memory_space<vmem>> -> memref<160xi32, #tpu.memory_space<vmem>>
          %dma_start3A_469 = arith.constant 0 : i32
          %dma_start3A_470 = arith.constant 0 : i32
          %dma_start3A_471 = tpu.memref_slice %arg3[%dma_start3A_469, %dma_start3A_470] : memref<10000x64xf32, #tpu.memory_space<hbm>> -> memref<10000x64xf32, #tpu.memory_space<hbm>>
          %dma_start3A_472 = tpu.memref_slice %arg13[%dma_start3A_461] : memref<4x!tpu.dma_semaphore, #tpu.memory_space<semaphore_mem>> -> memref<1x!tpu.dma_semaphore, #tpu.memory_space<semaphore_mem>>
          %dma_start3A_473 = tpu.memref_squeeze %dma_start3A_472 : memref<1x!tpu.dma_semaphore, #tpu.memory_space<semaphore_mem>> -> memref<!tpu.dma_semaphore, #tpu.memory_space<semaphore_mem>>
          tpu.enqueue_indirect_dma source(%dma_start3A_471 : memref<10000x64xf32, #tpu.memory_space<hbm>>) target(%dma_start3A_465 : memref<160x64xf32, #tpu.memory_space<vmem>>) offsets(%dma_start3A_468 : memref<160xi32, #tpu.memory_space<vmem>>) semaphore(%dma_start3A_473 : memref<!tpu.dma_semaphore, #tpu.memory_space<semaphore_mem>>)
        } else {
        }
        %add3A_385 = arith.constant 1 : i32
        %add3A_386 = arith.addi %mul3A_232, %add3A_385 : i32
        %dma_wait3A_387 = arith.constant 1 : i32
        %dma_wait3A_388 = arith.constant 1 : i32
        %dma_wait3A_389 = arith.constant 0 : i32
        %dma_wait3A_390 = arith.constant 0 : i32
        %dma_wait3A_391 = tpu.memref_slice %arg10[%dma_wait3A_387, %dma_wait3A_389, %dma_wait3A_390] : memref<4x160x64xf32, #tpu.memory_space<vmem>> -> memref<1x160x64xf32, #tpu.memory_space<vmem>>
        %dma_wait3A_392 = tpu.memref_squeeze %dma_wait3A_391 : memref<1x160x64xf32, #tpu.memory_space<vmem>> -> memref<160x64xf32, #tpu.memory_space<vmem>>
        %dma_wait3A_393 = arith.constant 0 : i32
        %dma_wait3A_394 = tpu.memref_slice %arg8[%add3A_386, %dma_wait3A_393] : memref<125x160xi32, #tpu.memory_space<vmem>> -> memref<1x160xi32, #tpu.memory_space<vmem>>
        %dma_wait3A_395 = tpu.memref_squeeze %dma_wait3A_394 : memref<1x160xi32, #tpu.memory_space<vmem>> -> memref<160xi32, #tpu.memory_space<vmem>>
        %dma_wait3A_396 = arith.constant 0 : i32
        %dma_wait3A_397 = arith.constant 0 : i32
        %dma_wait3A_398 = tpu.memref_slice %arg12[%dma_wait3A_396, %dma_wait3A_397] : memref<10000x64xf32, #tpu.memory_space<vmem_shared>> -> memref<10000x64xf32, #tpu.memory_space<vmem_shared>>
        %dma_wait3A_399 = tpu.memref_slice %arg14[%dma_wait3A_388] : memref<4x!tpu.dma_semaphore, #tpu.memory_space<semaphore_mem>> -> memref<1x!tpu.dma_semaphore, #tpu.memory_space<semaphore_mem>>
        %dma_wait3A_400 = tpu.memref_squeeze %dma_wait3A_399 : memref<1x!tpu.dma_semaphore, #tpu.memory_space<semaphore_mem>> -> memref<!tpu.dma_semaphore, #tpu.memory_space<semaphore_mem>>
        tpu.wait_indirect_dma semaphore(%dma_wait3A_400 : memref<!tpu.dma_semaphore, #tpu.memory_space<semaphore_mem>>) src(%dma_wait3A_392 : memref<160x64xf32, #tpu.memory_space<vmem>>) dst(%dma_wait3A_398 : memref<10000x64xf32, #tpu.memory_space<vmem_shared>>)
        %add3A_401 = arith.constant 4 : i32
        %add3A_402 = arith.addi %mul3A_232, %add3A_401 : i32
        %add3A_403 = arith.constant 1 : i32
        %add3A_404 = arith.addi %add3A_402, %add3A_403 : i32
        %lt3A_405 = arith.constant 125 : i32
        %lt3A_406 = arith.cmpi slt, %add3A_404, %lt3A_405 : i32
        %convert_element_type3A_407 = arith.extui %lt3A_406 : i1 to i32
        %cond3A_408 = arith.constant 0 : i32
        %cond3A_409 = arith.cmpi ne, %convert_element_type3A_407, %cond3A_408 : i32
        scf.if %cond3A_409 {
          %dma_start3A_460 = arith.constant 1 : i32
          %dma_start3A_461 = arith.constant 1 : i32
          %dma_start3A_462 = arith.constant 0 : i32
          %dma_start3A_463 = arith.constant 0 : i32
          %dma_start3A_464 = tpu.memref_slice %arg10[%dma_start3A_460, %dma_start3A_462, %dma_start3A_463] : memref<4x160x64xf32, #tpu.memory_space<vmem>> -> memref<1x160x64xf32, #tpu.memory_space<vmem>>
          %dma_start3A_465 = tpu.memref_squeeze %dma_start3A_464 : memref<1x160x64xf32, #tpu.memory_space<vmem>> -> memref<160x64xf32, #tpu.memory_space<vmem>>
          %dma_start3A_466 = arith.constant 0 : i32
          %dma_start3A_467 = tpu.memref_slice %arg7[%add3A_404, %dma_start3A_466] : memref<125x160xi32, #tpu.memory_space<vmem>> -> memref<1x160xi32, #tpu.memory_space<vmem>>
          %dma_start3A_468 = tpu.memref_squeeze %dma_start3A_467 : memref<1x160xi32, #tpu.memory_space<vmem>> -> memref<160xi32, #tpu.memory_space<vmem>>
          %dma_start3A_469 = arith.constant 0 : i32
          %dma_start3A_470 = arith.constant 0 : i32
          %dma_start3A_471 = tpu.memref_slice %arg3[%dma_start3A_469, %dma_start3A_470] : memref<10000x64xf32, #tpu.memory_space<hbm>> -> memref<10000x64xf32, #tpu.memory_space<hbm>>
          %dma_start3A_472 = tpu.memref_slice %arg13[%dma_start3A_461] : memref<4x!tpu.dma_semaphore, #tpu.memory_space<semaphore_mem>> -> memref<1x!tpu.dma_semaphore, #tpu.memory_space<semaphore_mem>>
          %dma_start3A_473 = tpu.memref_squeeze %dma_start3A_472 : memref<1x!tpu.dma_semaphore, #tpu.memory_space<semaphore_mem>> -> memref<!tpu.dma_semaphore, #tpu.memory_space<semaphore_mem>>
          tpu.enqueue_indirect_dma source(%dma_start3A_471 : memref<10000x64xf32, #tpu.memory_space<hbm>>) target(%dma_start3A_465 : memref<160x64xf32, #tpu.memory_space<vmem>>) offsets(%dma_start3A_468 : memref<160xi32, #tpu.memory_space<vmem>>) semaphore(%dma_start3A_473 : memref<!tpu.dma_semaphore, #tpu.memory_space<semaphore_mem>>)
        } else {
        }
        %add3A_410 = arith.constant 2 : i32
        %add3A_411 = arith.addi %mul3A_232, %add3A_410 : i32
        %dma_wait3A_412 = arith.constant 2 : i32
        %dma_wait3A_413 = arith.constant 2 : i32
        %dma_wait3A_414 = arith.constant 0 : i32
        %dma_wait3A_415 = arith.constant 0 : i32
        %dma_wait3A_416 = tpu.memref_slice %arg10[%dma_wait3A_412, %dma_wait3A_414, %dma_wait3A_415] : memref<4x160x64xf32, #tpu.memory_space<vmem>> -> memref<1x160x64xf32, #tpu.memory_space<vmem>>
        %dma_wait3A_417 = tpu.memref_squeeze %dma_wait3A_416 : memref<1x160x64xf32, #tpu.memory_space<vmem>> -> memref<160x64xf32, #tpu.memory_space<vmem>>
        %dma_wait3A_418 = arith.constant 0 : i32
        %dma_wait3A_419 = tpu.memref_slice %arg8[%add3A_411, %dma_wait3A_418] : memref<125x160xi32, #tpu.memory_space<vmem>> -> memref<1x160xi32, #tpu.memory_space<vmem>>
        %dma_wait3A_420 = tpu.memref_squeeze %dma_wait3A_419 : memref<1x160xi32, #tpu.memory_space<vmem>> -> memref<160xi32, #tpu.memory_space<vmem>>
        %dma_wait3A_421 = arith.constant 0 : i32
        %dma_wait3A_422 = arith.constant 0 : i32
        %dma_wait3A_423 = tpu.memref_slice %arg12[%dma_wait3A_421, %dma_wait3A_422] : memref<10000x64xf32, #tpu.memory_space<vmem_shared>> -> memref<10000x64xf32, #tpu.memory_space<vmem_shared>>
        %dma_wait3A_424 = tpu.memref_slice %arg14[%dma_wait3A_413] : memref<4x!tpu.dma_semaphore, #tpu.memory_space<semaphore_mem>> -> memref<1x!tpu.dma_semaphore, #tpu.memory_space<semaphore_mem>>
        %dma_wait3A_425 = tpu.memref_squeeze %dma_wait3A_424 : memref<1x!tpu.dma_semaphore, #tpu.memory_space<semaphore_mem>> -> memref<!tpu.dma_semaphore, #tpu.memory_space<semaphore_mem>>
        tpu.wait_indirect_dma semaphore(%dma_wait3A_425 : memref<!tpu.dma_semaphore, #tpu.memory_space<semaphore_mem>>) src(%dma_wait3A_417 : memref<160x64xf32, #tpu.memory_space<vmem>>) dst(%dma_wait3A_423 : memref<10000x64xf32, #tpu.memory_space<vmem_shared>>)
        %add3A_426 = arith.constant 4 : i32
        %add3A_427 = arith.addi %mul3A_232, %add3A_426 : i32
        %add3A_428 = arith.constant 2 : i32
        %add3A_429 = arith.addi %add3A_427, %add3A_428 : i32
        %lt3A_430 = arith.constant 125 : i32
        %lt3A_431 = arith.cmpi slt, %add3A_429, %lt3A_430 : i32
        %convert_element_type3A_432 = arith.extui %lt3A_431 : i1 to i32
        %cond3A_433 = arith.constant 0 : i32
        %cond3A_434 = arith.cmpi ne, %convert_element_type3A_432, %cond3A_433 : i32
        scf.if %cond3A_434 {
          %dma_start3A_460 = arith.constant 2 : i32
          %dma_start3A_461 = arith.constant 2 : i32
          %dma_start3A_462 = arith.constant 0 : i32
          %dma_start3A_463 = arith.constant 0 : i32
          %dma_start3A_464 = tpu.memref_slice %arg10[%dma_start3A_460, %dma_start3A_462, %dma_start3A_463] : memref<4x160x64xf32, #tpu.memory_space<vmem>> -> memref<1x160x64xf32, #tpu.memory_space<vmem>>
          %dma_start3A_465 = tpu.memref_squeeze %dma_start3A_464 : memref<1x160x64xf32, #tpu.memory_space<vmem>> -> memref<160x64xf32, #tpu.memory_space<vmem>>
          %dma_start3A_466 = arith.constant 0 : i32
          %dma_start3A_467 = tpu.memref_slice %arg7[%add3A_429, %dma_start3A_466] : memref<125x160xi32, #tpu.memory_space<vmem>> -> memref<1x160xi32, #tpu.memory_space<vmem>>
          %dma_start3A_468 = tpu.memref_squeeze %dma_start3A_467 : memref<1x160xi32, #tpu.memory_space<vmem>> -> memref<160xi32, #tpu.memory_space<vmem>>
          %dma_start3A_469 = arith.constant 0 : i32
          %dma_start3A_470 = arith.constant 0 : i32
          %dma_start3A_471 = tpu.memref_slice %arg3[%dma_start3A_469, %dma_start3A_470] : memref<10000x64xf32, #tpu.memory_space<hbm>> -> memref<10000x64xf32, #tpu.memory_space<hbm>>
          %dma_start3A_472 = tpu.memref_slice %arg13[%dma_start3A_461] : memref<4x!tpu.dma_semaphore, #tpu.memory_space<semaphore_mem>> -> memref<1x!tpu.dma_semaphore, #tpu.memory_space<semaphore_mem>>
          %dma_start3A_473 = tpu.memref_squeeze %dma_start3A_472 : memref<1x!tpu.dma_semaphore, #tpu.memory_space<semaphore_mem>> -> memref<!tpu.dma_semaphore, #tpu.memory_space<semaphore_mem>>
          tpu.enqueue_indirect_dma source(%dma_start3A_471 : memref<10000x64xf32, #tpu.memory_space<hbm>>) target(%dma_start3A_465 : memref<160x64xf32, #tpu.memory_space<vmem>>) offsets(%dma_start3A_468 : memref<160xi32, #tpu.memory_space<vmem>>) semaphore(%dma_start3A_473 : memref<!tpu.dma_semaphore, #tpu.memory_space<semaphore_mem>>)
        } else {
        }
        %add3A_435 = arith.constant 3 : i32
        %add3A_436 = arith.addi %mul3A_232, %add3A_435 : i32
        %dma_wait3A_437 = arith.constant 3 : i32
        %dma_wait3A_438 = arith.constant 3 : i32
        %dma_wait3A_439 = arith.constant 0 : i32
        %dma_wait3A_440 = arith.constant 0 : i32
        %dma_wait3A_441 = tpu.memref_slice %arg10[%dma_wait3A_437, %dma_wait3A_439, %dma_wait3A_440] : memref<4x160x64xf32, #tpu.memory_space<vmem>> -> memref<1x160x64xf32, #tpu.memory_space<vmem>>
        %dma_wait3A_442 = tpu.memref_squeeze %dma_wait3A_441 : memref<1x160x64xf32, #tpu.memory_space<vmem>> -> memref<160x64xf32, #tpu.memory_space<vmem>>
        %dma_wait3A_443 = arith.constant 0 : i32
        %dma_wait3A_444 = tpu.memref_slice %arg8[%add3A_436, %dma_wait3A_443] : memref<125x160xi32, #tpu.memory_space<vmem>> -> memref<1x160xi32, #tpu.memory_space<vmem>>
        %dma_wait3A_445 = tpu.memref_squeeze %dma_wait3A_444 : memref<1x160xi32, #tpu.memory_space<vmem>> -> memref<160xi32, #tpu.memory_space<vmem>>
        %dma_wait3A_446 = arith.constant 0 : i32
        %dma_wait3A_447 = arith.constant 0 : i32
        %dma_wait3A_448 = tpu.memref_slice %arg12[%dma_wait3A_446, %dma_wait3A_447] : memref<10000x64xf32, #tpu.memory_space<vmem_shared>> -> memref<10000x64xf32, #tpu.memory_space<vmem_shared>>
        %dma_wait3A_449 = tpu.memref_slice %arg14[%dma_wait3A_438] : memref<4x!tpu.dma_semaphore, #tpu.memory_space<semaphore_mem>> -> memref<1x!tpu.dma_semaphore, #tpu.memory_space<semaphore_mem>>
        %dma_wait3A_450 = tpu.memref_squeeze %dma_wait3A_449 : memref<1x!tpu.dma_semaphore, #tpu.memory_space<semaphore_mem>> -> memref<!tpu.dma_semaphore, #tpu.memory_space<semaphore_mem>>
        tpu.wait_indirect_dma semaphore(%dma_wait3A_450 : memref<!tpu.dma_semaphore, #tpu.memory_space<semaphore_mem>>) src(%dma_wait3A_442 : memref<160x64xf32, #tpu.memory_space<vmem>>) dst(%dma_wait3A_448 : memref<10000x64xf32, #tpu.memory_space<vmem_shared>>)
        %add3A_451 = arith.constant 4 : i32
        %add3A_452 = arith.addi %mul3A_232, %add3A_451 : i32
        %add3A_453 = arith.constant 3 : i32
        %add3A_454 = arith.addi %add3A_452, %add3A_453 : i32
        %lt3A_455 = arith.constant 125 : i32
        %lt3A_456 = arith.cmpi slt, %add3A_454, %lt3A_455 : i32
        %convert_element_type3A_457 = arith.extui %lt3A_456 : i1 to i32
        %cond3A_458 = arith.constant 0 : i32
        %cond3A_459 = arith.cmpi ne, %convert_element_type3A_457, %cond3A_458 : i32
        scf.if %cond3A_459 {
          %dma_start3A_460 = arith.constant 3 : i32
          %dma_start3A_461 = arith.constant 3 : i32
          %dma_start3A_462 = arith.constant 0 : i32
          %dma_start3A_463 = arith.constant 0 : i32
          %dma_start3A_464 = tpu.memref_slice %arg10[%dma_start3A_460, %dma_start3A_462, %dma_start3A_463] : memref<4x160x64xf32, #tpu.memory_space<vmem>> -> memref<1x160x64xf32, #tpu.memory_space<vmem>>
          %dma_start3A_465 = tpu.memref_squeeze %dma_start3A_464 : memref<1x160x64xf32, #tpu.memory_space<vmem>> -> memref<160x64xf32, #tpu.memory_space<vmem>>
          %dma_start3A_466 = arith.constant 0 : i32
          %dma_start3A_467 = tpu.memref_slice %arg7[%add3A_454, %dma_start3A_466] : memref<125x160xi32, #tpu.memory_space<vmem>> -> memref<1x160xi32, #tpu.memory_space<vmem>>
          %dma_start3A_468 = tpu.memref_squeeze %dma_start3A_467 : memref<1x160xi32, #tpu.memory_space<vmem>> -> memref<160xi32, #tpu.memory_space<vmem>>
          %dma_start3A_469 = arith.constant 0 : i32
          %dma_start3A_470 = arith.constant 0 : i32
          %dma_start3A_471 = tpu.memref_slice %arg3[%dma_start3A_469, %dma_start3A_470] : memref<10000x64xf32, #tpu.memory_space<hbm>> -> memref<10000x64xf32, #tpu.memory_space<hbm>>
          %dma_start3A_472 = tpu.memref_slice %arg13[%dma_start3A_461] : memref<4x!tpu.dma_semaphore, #tpu.memory_space<semaphore_mem>> -> memref<1x!tpu.dma_semaphore, #tpu.memory_space<semaphore_mem>>
          %dma_start3A_473 = tpu.memref_squeeze %dma_start3A_472 : memref<1x!tpu.dma_semaphore, #tpu.memory_space<semaphore_mem>> -> memref<!tpu.dma_semaphore, #tpu.memory_space<semaphore_mem>>
          tpu.enqueue_indirect_dma source(%dma_start3A_471 : memref<10000x64xf32, #tpu.memory_space<hbm>>) target(%dma_start3A_465 : memref<160x64xf32, #tpu.memory_space<vmem>>) offsets(%dma_start3A_468 : memref<160xi32, #tpu.memory_space<vmem>>) semaphore(%dma_start3A_473 : memref<!tpu.dma_semaphore, #tpu.memory_space<semaphore_mem>>)
        } else {
        }
      }
      %scan3A_185 = arith.constant 31 : i32
      %dma_wait3A = arith.constant 124 : i32
      %dma_wait3A_186 = arith.constant 0 : i32
      %dma_wait3A_187 = arith.constant 0 : i32
      %dma_wait3A_188 = arith.constant 0 : i32
      %dma_wait3A_189 = arith.constant 0 : i32
      %dma_wait3A_190 = tpu.memref_slice %arg10[%dma_wait3A_186, %dma_wait3A_188, %dma_wait3A_189] : memref<4x160x64xf32, #tpu.memory_space<vmem>> -> memref<1x160x64xf32, #tpu.memory_space<vmem>>
      %dma_wait3A_191 = tpu.memref_squeeze %dma_wait3A_190 : memref<1x160x64xf32, #tpu.memory_space<vmem>> -> memref<160x64xf32, #tpu.memory_space<vmem>>
      %dma_wait3A_192 = arith.constant 0 : i32
      %dma_wait3A_193 = tpu.memref_slice %arg7[%dma_wait3A, %dma_wait3A_192] : memref<125x160xi32, #tpu.memory_space<vmem>> -> memref<1x160xi32, #tpu.memory_space<vmem>>
      %dma_wait3A_194 = tpu.memref_squeeze %dma_wait3A_193 : memref<1x160xi32, #tpu.memory_space<vmem>> -> memref<160xi32, #tpu.memory_space<vmem>>
      %dma_wait3A_195 = arith.constant 0 : i32
      %dma_wait3A_196 = arith.constant 0 : i32
      %dma_wait3A_197 = tpu.memref_slice %arg3[%dma_wait3A_195, %dma_wait3A_196] : memref<10000x64xf32, #tpu.memory_space<hbm>> -> memref<10000x64xf32, #tpu.memory_space<hbm>>
      %dma_wait3A_198 = tpu.memref_slice %arg13[%dma_wait3A_187] : memref<4x!tpu.dma_semaphore, #tpu.memory_space<semaphore_mem>> -> memref<1x!tpu.dma_semaphore, #tpu.memory_space<semaphore_mem>>
      %dma_wait3A_199 = tpu.memref_squeeze %dma_wait3A_198 : memref<1x!tpu.dma_semaphore, #tpu.memory_space<semaphore_mem>> -> memref<!tpu.dma_semaphore, #tpu.memory_space<semaphore_mem>>
      tpu.wait_indirect_dma semaphore(%dma_wait3A_199 : memref<!tpu.dma_semaphore, #tpu.memory_space<semaphore_mem>>) src(%dma_wait3A_197 : memref<10000x64xf32, #tpu.memory_space<hbm>>) dst(%dma_wait3A_191 : memref<160x64xf32, #tpu.memory_space<vmem>>)
      %dma_start3A_200 = arith.constant 0 : i32
      %dma_start3A_201 = arith.constant 124 : i32
      %dma_start3A_202 = arith.constant 0 : i32
      %dma_start3A_203 = arith.constant 0 : i32
      %dma_start3A_204 = arith.constant 0 : i32
      %dma_start3A_205 = tpu.memref_slice %arg10[%dma_start3A_200, %dma_start3A_203, %dma_start3A_204] : memref<4x160x64xf32, #tpu.memory_space<vmem>> -> memref<1x160x64xf32, #tpu.memory_space<vmem>>
      %dma_start3A_206 = tpu.memref_squeeze %dma_start3A_205 : memref<1x160x64xf32, #tpu.memory_space<vmem>> -> memref<160x64xf32, #tpu.memory_space<vmem>>
      %dma_start3A_207 = arith.constant 0 : i32
      %dma_start3A_208 = tpu.memref_slice %arg8[%dma_start3A_201, %dma_start3A_207] : memref<125x160xi32, #tpu.memory_space<vmem>> -> memref<1x160xi32, #tpu.memory_space<vmem>>
      %dma_start3A_209 = tpu.memref_squeeze %dma_start3A_208 : memref<1x160xi32, #tpu.memory_space<vmem>> -> memref<160xi32, #tpu.memory_space<vmem>>
      %dma_start3A_210 = arith.constant 0 : i32
      %dma_start3A_211 = arith.constant 0 : i32
      %dma_start3A_212 = tpu.memref_slice %arg12[%dma_start3A_210, %dma_start3A_211] : memref<10000x64xf32, #tpu.memory_space<vmem_shared>> -> memref<10000x64xf32, #tpu.memory_space<vmem_shared>>
      %dma_start3A_213 = tpu.memref_slice %arg14[%dma_start3A_202] : memref<4x!tpu.dma_semaphore, #tpu.memory_space<semaphore_mem>> -> memref<1x!tpu.dma_semaphore, #tpu.memory_space<semaphore_mem>>
      %dma_start3A_214 = tpu.memref_squeeze %dma_start3A_213 : memref<1x!tpu.dma_semaphore, #tpu.memory_space<semaphore_mem>> -> memref<!tpu.dma_semaphore, #tpu.memory_space<semaphore_mem>>
      tpu.enqueue_indirect_dma source(%dma_start3A_206 : memref<160x64xf32, #tpu.memory_space<vmem>>) target(%dma_start3A_212 : memref<10000x64xf32, #tpu.memory_space<vmem_shared>>) offsets(%dma_start3A_209 : memref<160xi32, #tpu.memory_space<vmem>>) semaphore(%dma_start3A_214 : memref<!tpu.dma_semaphore, #tpu.memory_space<semaphore_mem>>) {add = true}
      %dma_wait3A_215 = arith.constant 0 : i32
      %dma_wait3A_216 = arith.constant 124 : i32
      %dma_wait3A_217 = arith.constant 0 : i32
      %dma_wait3A_218 = arith.constant 0 : i32
      %dma_wait3A_219 = arith.constant 0 : i32
      %dma_wait3A_220 = tpu.memref_slice %arg10[%dma_wait3A_215, %dma_wait3A_218, %dma_wait3A_219] : memref<4x160x64xf32, #tpu.memory_space<vmem>> -> memref<1x160x64xf32, #tpu.memory_space<vmem>>
      %dma_wait3A_221 = tpu.memref_squeeze %dma_wait3A_220 : memref<1x160x64xf32, #tpu.memory_space<vmem>> -> memref<160x64xf32, #tpu.memory_space<vmem>>
      %dma_wait3A_222 = arith.constant 0 : i32
      %dma_wait3A_223 = tpu.memref_slice %arg8[%dma_wait3A_216, %dma_wait3A_222] : memref<125x160xi32, #tpu.memory_space<vmem>> -> memref<1x160xi32, #tpu.memory_space<vmem>>
      %dma_wait3A_224 = tpu.memref_squeeze %dma_wait3A_223 : memref<1x160xi32, #tpu.memory_space<vmem>> -> memref<160xi32, #tpu.memory_space<vmem>>
      %dma_wait3A_225 = arith.constant 0 : i32
      %dma_wait3A_226 = arith.constant 0 : i32
      %dma_wait3A_227 = tpu.memref_slice %arg12[%dma_wait3A_225, %dma_wait3A_226] : memref<10000x64xf32, #tpu.memory_space<vmem_shared>> -> memref<10000x64xf32, #tpu.memory_space<vmem_shared>>
      %dma_wait3A_228 = tpu.memref_slice %arg14[%dma_wait3A_217] : memref<4x!tpu.dma_semaphore, #tpu.memory_space<semaphore_mem>> -> memref<1x!tpu.dma_semaphore, #tpu.memory_space<semaphore_mem>>
      %dma_wait3A_229 = tpu.memref_squeeze %dma_wait3A_228 : memref<1x!tpu.dma_semaphore, #tpu.memory_space<semaphore_mem>> -> memref<!tpu.dma_semaphore, #tpu.memory_space<semaphore_mem>>
      tpu.wait_indirect_dma semaphore(%dma_wait3A_229 : memref<!tpu.dma_semaphore, #tpu.memory_space<semaphore_mem>>) src(%dma_wait3A_221 : memref<160x64xf32, #tpu.memory_space<vmem>>) dst(%dma_wait3A_227 : memref<10000x64xf32, #tpu.memory_space<vmem_shared>>)
    } else {
    }
    %eq3A_111 = arith.constant 1 : i32
    %eq3A_112 = arith.cmpi eq, %sub3A_0, %eq3A_111 : i32
    %convert_element_type3A_113 = arith.extui %eq3A_112 : i1 to i32
    %cond3A_114 = arith.constant 0 : i32
    %cond3A_115 = arith.cmpi ne, %convert_element_type3A_113, %cond3A_114 : i32
    scf.if %cond3A_115 {
      %dma_start3A = arith.constant 0 : i32
      %dma_start3A_121 = arith.constant 0 : i32
      %dma_start3A_122 = arith.constant 0 : i32
      %dma_start3A_123 = arith.constant 0 : i32
      %dma_start3A_124 = arith.constant 0 : i32
      %dma_start3A_125 = tpu.memref_slice %arg10[%dma_start3A_121, %dma_start3A_123, %dma_start3A_124] : memref<4x160x64xf32, #tpu.memory_space<vmem>> -> memref<1x160x64xf32, #tpu.memory_space<vmem>>
      %dma_start3A_126 = tpu.memref_squeeze %dma_start3A_125 : memref<1x160x64xf32, #tpu.memory_space<vmem>> -> memref<160x64xf32, #tpu.memory_space<vmem>>
      %dma_start3A_127 = arith.constant 0 : i32
      %dma_start3A_128 = tpu.memref_slice %arg7[%dma_start3A, %dma_start3A_127] : memref<125x160xi32, #tpu.memory_space<vmem>> -> memref<1x160xi32, #tpu.memory_space<vmem>>
      %dma_start3A_129 = tpu.memref_squeeze %dma_start3A_128 : memref<1x160xi32, #tpu.memory_space<vmem>> -> memref<160xi32, #tpu.memory_space<vmem>>
      %dma_start3A_130 = arith.constant 0 : i32
      %dma_start3A_131 = arith.constant 0 : i32
      %dma_start3A_132 = tpu.memref_slice %arg4[%dma_start3A_130, %dma_start3A_131] : memref<10000x64xf32, #tpu.memory_space<hbm>> -> memref<10000x64xf32, #tpu.memory_space<hbm>>
      %dma_start3A_133 = tpu.memref_slice %arg13[%dma_start3A_122] : memref<4x!tpu.dma_semaphore, #tpu.memory_space<semaphore_mem>> -> memref<1x!tpu.dma_semaphore, #tpu.memory_space<semaphore_mem>>
      %dma_start3A_134 = tpu.memref_squeeze %dma_start3A_133 : memref<1x!tpu.dma_semaphore, #tpu.memory_space<semaphore_mem>> -> memref<!tpu.dma_semaphore, #tpu.memory_space<semaphore_mem>>
      tpu.enqueue_indirect_dma source(%dma_start3A_132 : memref<10000x64xf32, #tpu.memory_space<hbm>>) target(%dma_start3A_126 : memref<160x64xf32, #tpu.memory_space<vmem>>) offsets(%dma_start3A_129 : memref<160xi32, #tpu.memory_space<vmem>>) semaphore(%dma_start3A_134 : memref<!tpu.dma_semaphore, #tpu.memory_space<semaphore_mem>>)
      %dma_start3A_135 = arith.constant 1 : i32
      %dma_start3A_136 = arith.constant 1 : i32
      %dma_start3A_137 = arith.constant 1 : i32
      %dma_start3A_138 = arith.constant 0 : i32
      %dma_start3A_139 = arith.constant 0 : i32
      %dma_start3A_140 = tpu.memref_slice %arg10[%dma_start3A_136, %dma_start3A_138, %dma_start3A_139] : memref<4x160x64xf32, #tpu.memory_space<vmem>> -> memref<1x160x64xf32, #tpu.memory_space<vmem>>
      %dma_start3A_141 = tpu.memref_squeeze %dma_start3A_140 : memref<1x160x64xf32, #tpu.memory_space<vmem>> -> memref<160x64xf32, #tpu.memory_space<vmem>>
      %dma_start3A_142 = arith.constant 0 : i32
      %dma_start3A_143 = tpu.memref_slice %arg7[%dma_start3A_135, %dma_start3A_142] : memref<125x160xi32, #tpu.memory_space<vmem>> -> memref<1x160xi32, #tpu.memory_space<vmem>>
      %dma_start3A_144 = tpu.memref_squeeze %dma_start3A_143 : memref<1x160xi32, #tpu.memory_space<vmem>> -> memref<160xi32, #tpu.memory_space<vmem>>
      %dma_start3A_145 = arith.constant 0 : i32
      %dma_start3A_146 = arith.constant 0 : i32
      %dma_start3A_147 = tpu.memref_slice %arg4[%dma_start3A_145, %dma_start3A_146] : memref<10000x64xf32, #tpu.memory_space<hbm>> -> memref<10000x64xf32, #tpu.memory_space<hbm>>
      %dma_start3A_148 = tpu.memref_slice %arg13[%dma_start3A_137] : memref<4x!tpu.dma_semaphore, #tpu.memory_space<semaphore_mem>> -> memref<1x!tpu.dma_semaphore, #tpu.memory_space<semaphore_mem>>
      %dma_start3A_149 = tpu.memref_squeeze %dma_start3A_148 : memref<1x!tpu.dma_semaphore, #tpu.memory_space<semaphore_mem>> -> memref<!tpu.dma_semaphore, #tpu.memory_space<semaphore_mem>>
      tpu.enqueue_indirect_dma source(%dma_start3A_147 : memref<10000x64xf32, #tpu.memory_space<hbm>>) target(%dma_start3A_141 : memref<160x64xf32, #tpu.memory_space<vmem>>) offsets(%dma_start3A_144 : memref<160xi32, #tpu.memory_space<vmem>>) semaphore(%dma_start3A_149 : memref<!tpu.dma_semaphore, #tpu.memory_space<semaphore_mem>>)
      %dma_start3A_150 = arith.constant 2 : i32
      %dma_start3A_151 = arith.constant 2 : i32
      %dma_start3A_152 = arith.constant 2 : i32
      %dma_start3A_153 = arith.constant 0 : i32
      %dma_start3A_154 = arith.constant 0 : i32
      %dma_start3A_155 = tpu.memref_slice %arg10[%dma_start3A_151, %dma_start3A_153, %dma_start3A_154] : memref<4x160x64xf32, #tpu.memory_space<vmem>> -> memref<1x160x64xf32, #tpu.memory_space<vmem>>
      %dma_start3A_156 = tpu.memref_squeeze %dma_start3A_155 : memref<1x160x64xf32, #tpu.memory_space<vmem>> -> memref<160x64xf32, #tpu.memory_space<vmem>>
      %dma_start3A_157 = arith.constant 0 : i32
      %dma_start3A_158 = tpu.memref_slice %arg7[%dma_start3A_150, %dma_start3A_157] : memref<125x160xi32, #tpu.memory_space<vmem>> -> memref<1x160xi32, #tpu.memory_space<vmem>>
      %dma_start3A_159 = tpu.memref_squeeze %dma_start3A_158 : memref<1x160xi32, #tpu.memory_space<vmem>> -> memref<160xi32, #tpu.memory_space<vmem>>
      %dma_start3A_160 = arith.constant 0 : i32
      %dma_start3A_161 = arith.constant 0 : i32
      %dma_start3A_162 = tpu.memref_slice %arg4[%dma_start3A_160, %dma_start3A_161] : memref<10000x64xf32, #tpu.memory_space<hbm>> -> memref<10000x64xf32, #tpu.memory_space<hbm>>
      %dma_start3A_163 = tpu.memref_slice %arg13[%dma_start3A_152] : memref<4x!tpu.dma_semaphore, #tpu.memory_space<semaphore_mem>> -> memref<1x!tpu.dma_semaphore, #tpu.memory_space<semaphore_mem>>
      %dma_start3A_164 = tpu.memref_squeeze %dma_start3A_163 : memref<1x!tpu.dma_semaphore, #tpu.memory_space<semaphore_mem>> -> memref<!tpu.dma_semaphore, #tpu.memory_space<semaphore_mem>>
      tpu.enqueue_indirect_dma source(%dma_start3A_162 : memref<10000x64xf32, #tpu.memory_space<hbm>>) target(%dma_start3A_156 : memref<160x64xf32, #tpu.memory_space<vmem>>) offsets(%dma_start3A_159 : memref<160xi32, #tpu.memory_space<vmem>>) semaphore(%dma_start3A_164 : memref<!tpu.dma_semaphore, #tpu.memory_space<semaphore_mem>>)
      %dma_start3A_165 = arith.constant 3 : i32
      %dma_start3A_166 = arith.constant 3 : i32
      %dma_start3A_167 = arith.constant 3 : i32
      %dma_start3A_168 = arith.constant 0 : i32
      %dma_start3A_169 = arith.constant 0 : i32
      %dma_start3A_170 = tpu.memref_slice %arg10[%dma_start3A_166, %dma_start3A_168, %dma_start3A_169] : memref<4x160x64xf32, #tpu.memory_space<vmem>> -> memref<1x160x64xf32, #tpu.memory_space<vmem>>
      %dma_start3A_171 = tpu.memref_squeeze %dma_start3A_170 : memref<1x160x64xf32, #tpu.memory_space<vmem>> -> memref<160x64xf32, #tpu.memory_space<vmem>>
      %dma_start3A_172 = arith.constant 0 : i32
      %dma_start3A_173 = tpu.memref_slice %arg7[%dma_start3A_165, %dma_start3A_172] : memref<125x160xi32, #tpu.memory_space<vmem>> -> memref<1x160xi32, #tpu.memory_space<vmem>>
      %dma_start3A_174 = tpu.memref_squeeze %dma_start3A_173 : memref<1x160xi32, #tpu.memory_space<vmem>> -> memref<160xi32, #tpu.memory_space<vmem>>
      %dma_start3A_175 = arith.constant 0 : i32
      %dma_start3A_176 = arith.constant 0 : i32
      %dma_start3A_177 = tpu.memref_slice %arg4[%dma_start3A_175, %dma_start3A_176] : memref<10000x64xf32, #tpu.memory_space<hbm>> -> memref<10000x64xf32, #tpu.memory_space<hbm>>
      %dma_start3A_178 = tpu.memref_slice %arg13[%dma_start3A_167] : memref<4x!tpu.dma_semaphore, #tpu.memory_space<semaphore_mem>> -> memref<1x!tpu.dma_semaphore, #tpu.memory_space<semaphore_mem>>
      %dma_start3A_179 = tpu.memref_squeeze %dma_start3A_178 : memref<1x!tpu.dma_semaphore, #tpu.memory_space<semaphore_mem>> -> memref<!tpu.dma_semaphore, #tpu.memory_space<semaphore_mem>>
      tpu.enqueue_indirect_dma source(%dma_start3A_177 : memref<10000x64xf32, #tpu.memory_space<hbm>>) target(%dma_start3A_171 : memref<160x64xf32, #tpu.memory_space<vmem>>) offsets(%dma_start3A_174 : memref<160xi32, #tpu.memory_space<vmem>>) semaphore(%dma_start3A_179 : memref<!tpu.dma_semaphore, #tpu.memory_space<semaphore_mem>>)
      %scan3A_180 = arith.constant 0 : i32
      %scan3A_181 = arith.constant 0 : i32
      %scan3A_182 = arith.constant 31 : i32
      %scan3A_183 = arith.addi %scan3A_181, %scan3A_182 : i32
      %scan3A_184 = arith.constant 1 : i32
      scf.for %scan3A_230 = %scan3A_181 to %scan3A_183 step %scan3A_184  : i32 {
        %mul3A_231 = arith.constant 4 : i32
        %mul3A_232 = arith.muli %scan3A_230, %mul3A_231 : i32
        %add3A_233 = arith.constant 0 : i32
        %add3A_234 = arith.addi %mul3A_232, %add3A_233 : i32
        %dma_wait3A_235 = arith.constant 0 : i32
        %dma_wait3A_236 = arith.constant 0 : i32
        %dma_wait3A_237 = arith.constant 0 : i32
        %dma_wait3A_238 = arith.constant 0 : i32
        %dma_wait3A_239 = tpu.memref_slice %arg10[%dma_wait3A_235, %dma_wait3A_237, %dma_wait3A_238] : memref<4x160x64xf32, #tpu.memory_space<vmem>> -> memref<1x160x64xf32, #tpu.memory_space<vmem>>
        %dma_wait3A_240 = tpu.memref_squeeze %dma_wait3A_239 : memref<1x160x64xf32, #tpu.memory_space<vmem>> -> memref<160x64xf32, #tpu.memory_space<vmem>>
        %dma_wait3A_241 = arith.constant 0 : i32
        %dma_wait3A_242 = tpu.memref_slice %arg7[%add3A_234, %dma_wait3A_241] : memref<125x160xi32, #tpu.memory_space<vmem>> -> memref<1x160xi32, #tpu.memory_space<vmem>>
        %dma_wait3A_243 = tpu.memref_squeeze %dma_wait3A_242 : memref<1x160xi32, #tpu.memory_space<vmem>> -> memref<160xi32, #tpu.memory_space<vmem>>
        %dma_wait3A_244 = arith.constant 0 : i32
        %dma_wait3A_245 = arith.constant 0 : i32
        %dma_wait3A_246 = tpu.memref_slice %arg4[%dma_wait3A_244, %dma_wait3A_245] : memref<10000x64xf32, #tpu.memory_space<hbm>> -> memref<10000x64xf32, #tpu.memory_space<hbm>>
        %dma_wait3A_247 = tpu.memref_slice %arg13[%dma_wait3A_236] : memref<4x!tpu.dma_semaphore, #tpu.memory_space<semaphore_mem>> -> memref<1x!tpu.dma_semaphore, #tpu.memory_space<semaphore_mem>>
        %dma_wait3A_248 = tpu.memref_squeeze %dma_wait3A_247 : memref<1x!tpu.dma_semaphore, #tpu.memory_space<semaphore_mem>> -> memref<!tpu.dma_semaphore, #tpu.memory_space<semaphore_mem>>
        tpu.wait_indirect_dma semaphore(%dma_wait3A_248 : memref<!tpu.dma_semaphore, #tpu.memory_space<semaphore_mem>>) src(%dma_wait3A_246 : memref<10000x64xf32, #tpu.memory_space<hbm>>) dst(%dma_wait3A_240 : memref<160x64xf32, #tpu.memory_space<vmem>>)
        %add3A_249 = arith.constant 0 : i32
        %add3A_250 = arith.addi %mul3A_232, %add3A_249 : i32
        %dma_start3A_251 = arith.constant 0 : i32
        %dma_start3A_252 = arith.constant 0 : i32
        %dma_start3A_253 = arith.constant 0 : i32
        %dma_start3A_254 = arith.constant 0 : i32
        %dma_start3A_255 = tpu.memref_slice %arg10[%dma_start3A_251, %dma_start3A_253, %dma_start3A_254] : memref<4x160x64xf32, #tpu.memory_space<vmem>> -> memref<1x160x64xf32, #tpu.memory_space<vmem>>
        %dma_start3A_256 = tpu.memref_squeeze %dma_start3A_255 : memref<1x160x64xf32, #tpu.memory_space<vmem>> -> memref<160x64xf32, #tpu.memory_space<vmem>>
        %dma_start3A_257 = arith.constant 0 : i32
        %dma_start3A_258 = tpu.memref_slice %arg8[%add3A_250, %dma_start3A_257] : memref<125x160xi32, #tpu.memory_space<vmem>> -> memref<1x160xi32, #tpu.memory_space<vmem>>
        %dma_start3A_259 = tpu.memref_squeeze %dma_start3A_258 : memref<1x160xi32, #tpu.memory_space<vmem>> -> memref<160xi32, #tpu.memory_space<vmem>>
        %dma_start3A_260 = arith.constant 0 : i32
        %dma_start3A_261 = arith.constant 0 : i32
        %dma_start3A_262 = tpu.memref_slice %arg12[%dma_start3A_260, %dma_start3A_261] : memref<10000x64xf32, #tpu.memory_space<vmem_shared>> -> memref<10000x64xf32, #tpu.memory_space<vmem_shared>>
        %dma_start3A_263 = tpu.memref_slice %arg14[%dma_start3A_252] : memref<4x!tpu.dma_semaphore, #tpu.memory_space<semaphore_mem>> -> memref<1x!tpu.dma_semaphore, #tpu.memory_space<semaphore_mem>>
        %dma_start3A_264 = tpu.memref_squeeze %dma_start3A_263 : memref<1x!tpu.dma_semaphore, #tpu.memory_space<semaphore_mem>> -> memref<!tpu.dma_semaphore, #tpu.memory_space<semaphore_mem>>
        tpu.enqueue_indirect_dma source(%dma_start3A_256 : memref<160x64xf32, #tpu.memory_space<vmem>>) target(%dma_start3A_262 : memref<10000x64xf32, #tpu.memory_space<vmem_shared>>) offsets(%dma_start3A_259 : memref<160xi32, #tpu.memory_space<vmem>>) semaphore(%dma_start3A_264 : memref<!tpu.dma_semaphore, #tpu.memory_space<semaphore_mem>>) {add = true}
        %add3A_265 = arith.constant 1 : i32
        %add3A_266 = arith.addi %mul3A_232, %add3A_265 : i32
        %dma_wait3A_267 = arith.constant 1 : i32
        %dma_wait3A_268 = arith.constant 1 : i32
        %dma_wait3A_269 = arith.constant 0 : i32
        %dma_wait3A_270 = arith.constant 0 : i32
        %dma_wait3A_271 = tpu.memref_slice %arg10[%dma_wait3A_267, %dma_wait3A_269, %dma_wait3A_270] : memref<4x160x64xf32, #tpu.memory_space<vmem>> -> memref<1x160x64xf32, #tpu.memory_space<vmem>>
        %dma_wait3A_272 = tpu.memref_squeeze %dma_wait3A_271 : memref<1x160x64xf32, #tpu.memory_space<vmem>> -> memref<160x64xf32, #tpu.memory_space<vmem>>
        %dma_wait3A_273 = arith.constant 0 : i32
        %dma_wait3A_274 = tpu.memref_slice %arg7[%add3A_266, %dma_wait3A_273] : memref<125x160xi32, #tpu.memory_space<vmem>> -> memref<1x160xi32, #tpu.memory_space<vmem>>
        %dma_wait3A_275 = tpu.memref_squeeze %dma_wait3A_274 : memref<1x160xi32, #tpu.memory_space<vmem>> -> memref<160xi32, #tpu.memory_space<vmem>>
        %dma_wait3A_276 = arith.constant 0 : i32
        %dma_wait3A_277 = arith.constant 0 : i32
        %dma_wait3A_278 = tpu.memref_slice %arg4[%dma_wait3A_276, %dma_wait3A_277] : memref<10000x64xf32, #tpu.memory_space<hbm>> -> memref<10000x64xf32, #tpu.memory_space<hbm>>
        %dma_wait3A_279 = tpu.memref_slice %arg13[%dma_wait3A_268] : memref<4x!tpu.dma_semaphore, #tpu.memory_space<semaphore_mem>> -> memref<1x!tpu.dma_semaphore, #tpu.memory_space<semaphore_mem>>
        %dma_wait3A_280 = tpu.memref_squeeze %dma_wait3A_279 : memref<1x!tpu.dma_semaphore, #tpu.memory_space<semaphore_mem>> -> memref<!tpu.dma_semaphore, #tpu.memory_space<semaphore_mem>>
        tpu.wait_indirect_dma semaphore(%dma_wait3A_280 : memref<!tpu.dma_semaphore, #tpu.memory_space<semaphore_mem>>) src(%dma_wait3A_278 : memref<10000x64xf32, #tpu.memory_space<hbm>>) dst(%dma_wait3A_272 : memref<160x64xf32, #tpu.memory_space<vmem>>)
        %add3A_281 = arith.constant 1 : i32
        %add3A_282 = arith.addi %mul3A_232, %add3A_281 : i32
        %dma_start3A_283 = arith.constant 1 : i32
        %dma_start3A_284 = arith.constant 1 : i32
        %dma_start3A_285 = arith.constant 0 : i32
        %dma_start3A_286 = arith.constant 0 : i32
        %dma_start3A_287 = tpu.memref_slice %arg10[%dma_start3A_283, %dma_start3A_285, %dma_start3A_286] : memref<4x160x64xf32, #tpu.memory_space<vmem>> -> memref<1x160x64xf32, #tpu.memory_space<vmem>>
        %dma_start3A_288 = tpu.memref_squeeze %dma_start3A_287 : memref<1x160x64xf32, #tpu.memory_space<vmem>> -> memref<160x64xf32, #tpu.memory_space<vmem>>
        %dma_start3A_289 = arith.constant 0 : i32
        %dma_start3A_290 = tpu.memref_slice %arg8[%add3A_282, %dma_start3A_289] : memref<125x160xi32, #tpu.memory_space<vmem>> -> memref<1x160xi32, #tpu.memory_space<vmem>>
        %dma_start3A_291 = tpu.memref_squeeze %dma_start3A_290 : memref<1x160xi32, #tpu.memory_space<vmem>> -> memref<160xi32, #tpu.memory_space<vmem>>
        %dma_start3A_292 = arith.constant 0 : i32
        %dma_start3A_293 = arith.constant 0 : i32
        %dma_start3A_294 = tpu.memref_slice %arg12[%dma_start3A_292, %dma_start3A_293] : memref<10000x64xf32, #tpu.memory_space<vmem_shared>> -> memref<10000x64xf32, #tpu.memory_space<vmem_shared>>
        %dma_start3A_295 = tpu.memref_slice %arg14[%dma_start3A_284] : memref<4x!tpu.dma_semaphore, #tpu.memory_space<semaphore_mem>> -> memref<1x!tpu.dma_semaphore, #tpu.memory_space<semaphore_mem>>
        %dma_start3A_296 = tpu.memref_squeeze %dma_start3A_295 : memref<1x!tpu.dma_semaphore, #tpu.memory_space<semaphore_mem>> -> memref<!tpu.dma_semaphore, #tpu.memory_space<semaphore_mem>>
        tpu.enqueue_indirect_dma source(%dma_start3A_288 : memref<160x64xf32, #tpu.memory_space<vmem>>) target(%dma_start3A_294 : memref<10000x64xf32, #tpu.memory_space<vmem_shared>>) offsets(%dma_start3A_291 : memref<160xi32, #tpu.memory_space<vmem>>) semaphore(%dma_start3A_296 : memref<!tpu.dma_semaphore, #tpu.memory_space<semaphore_mem>>) {add = true}
        %add3A_297 = arith.constant 2 : i32
        %add3A_298 = arith.addi %mul3A_232, %add3A_297 : i32
        %dma_wait3A_299 = arith.constant 2 : i32
        %dma_wait3A_300 = arith.constant 2 : i32
        %dma_wait3A_301 = arith.constant 0 : i32
        %dma_wait3A_302 = arith.constant 0 : i32
        %dma_wait3A_303 = tpu.memref_slice %arg10[%dma_wait3A_299, %dma_wait3A_301, %dma_wait3A_302] : memref<4x160x64xf32, #tpu.memory_space<vmem>> -> memref<1x160x64xf32, #tpu.memory_space<vmem>>
        %dma_wait3A_304 = tpu.memref_squeeze %dma_wait3A_303 : memref<1x160x64xf32, #tpu.memory_space<vmem>> -> memref<160x64xf32, #tpu.memory_space<vmem>>
        %dma_wait3A_305 = arith.constant 0 : i32
        %dma_wait3A_306 = tpu.memref_slice %arg7[%add3A_298, %dma_wait3A_305] : memref<125x160xi32, #tpu.memory_space<vmem>> -> memref<1x160xi32, #tpu.memory_space<vmem>>
        %dma_wait3A_307 = tpu.memref_squeeze %dma_wait3A_306 : memref<1x160xi32, #tpu.memory_space<vmem>> -> memref<160xi32, #tpu.memory_space<vmem>>
        %dma_wait3A_308 = arith.constant 0 : i32
        %dma_wait3A_309 = arith.constant 0 : i32
        %dma_wait3A_310 = tpu.memref_slice %arg4[%dma_wait3A_308, %dma_wait3A_309] : memref<10000x64xf32, #tpu.memory_space<hbm>> -> memref<10000x64xf32, #tpu.memory_space<hbm>>
        %dma_wait3A_311 = tpu.memref_slice %arg13[%dma_wait3A_300] : memref<4x!tpu.dma_semaphore, #tpu.memory_space<semaphore_mem>> -> memref<1x!tpu.dma_semaphore, #tpu.memory_space<semaphore_mem>>
        %dma_wait3A_312 = tpu.memref_squeeze %dma_wait3A_311 : memref<1x!tpu.dma_semaphore, #tpu.memory_space<semaphore_mem>> -> memref<!tpu.dma_semaphore, #tpu.memory_space<semaphore_mem>>
        tpu.wait_indirect_dma semaphore(%dma_wait3A_312 : memref<!tpu.dma_semaphore, #tpu.memory_space<semaphore_mem>>) src(%dma_wait3A_310 : memref<10000x64xf32, #tpu.memory_space<hbm>>) dst(%dma_wait3A_304 : memref<160x64xf32, #tpu.memory_space<vmem>>)
        %add3A_313 = arith.constant 2 : i32
        %add3A_314 = arith.addi %mul3A_232, %add3A_313 : i32
        %dma_start3A_315 = arith.constant 2 : i32
        %dma_start3A_316 = arith.constant 2 : i32
        %dma_start3A_317 = arith.constant 0 : i32
        %dma_start3A_318 = arith.constant 0 : i32
        %dma_start3A_319 = tpu.memref_slice %arg10[%dma_start3A_315, %dma_start3A_317, %dma_start3A_318] : memref<4x160x64xf32, #tpu.memory_space<vmem>> -> memref<1x160x64xf32, #tpu.memory_space<vmem>>
        %dma_start3A_320 = tpu.memref_squeeze %dma_start3A_319 : memref<1x160x64xf32, #tpu.memory_space<vmem>> -> memref<160x64xf32, #tpu.memory_space<vmem>>
        %dma_start3A_321 = arith.constant 0 : i32
        %dma_start3A_322 = tpu.memref_slice %arg8[%add3A_314, %dma_start3A_321] : memref<125x160xi32, #tpu.memory_space<vmem>> -> memref<1x160xi32, #tpu.memory_space<vmem>>
        %dma_start3A_323 = tpu.memref_squeeze %dma_start3A_322 : memref<1x160xi32, #tpu.memory_space<vmem>> -> memref<160xi32, #tpu.memory_space<vmem>>
        %dma_start3A_324 = arith.constant 0 : i32
        %dma_start3A_325 = arith.constant 0 : i32
        %dma_start3A_326 = tpu.memref_slice %arg12[%dma_start3A_324, %dma_start3A_325] : memref<10000x64xf32, #tpu.memory_space<vmem_shared>> -> memref<10000x64xf32, #tpu.memory_space<vmem_shared>>
        %dma_start3A_327 = tpu.memref_slice %arg14[%dma_start3A_316] : memref<4x!tpu.dma_semaphore, #tpu.memory_space<semaphore_mem>> -> memref<1x!tpu.dma_semaphore, #tpu.memory_space<semaphore_mem>>
        %dma_start3A_328 = tpu.memref_squeeze %dma_start3A_327 : memref<1x!tpu.dma_semaphore, #tpu.memory_space<semaphore_mem>> -> memref<!tpu.dma_semaphore, #tpu.memory_space<semaphore_mem>>
        tpu.enqueue_indirect_dma source(%dma_start3A_320 : memref<160x64xf32, #tpu.memory_space<vmem>>) target(%dma_start3A_326 : memref<10000x64xf32, #tpu.memory_space<vmem_shared>>) offsets(%dma_start3A_323 : memref<160xi32, #tpu.memory_space<vmem>>) semaphore(%dma_start3A_328 : memref<!tpu.dma_semaphore, #tpu.memory_space<semaphore_mem>>) {add = true}
        %add3A_329 = arith.constant 3 : i32
        %add3A_330 = arith.addi %mul3A_232, %add3A_329 : i32
        %dma_wait3A_331 = arith.constant 3 : i32
        %dma_wait3A_332 = arith.constant 3 : i32
        %dma_wait3A_333 = arith.constant 0 : i32
        %dma_wait3A_334 = arith.constant 0 : i32
        %dma_wait3A_335 = tpu.memref_slice %arg10[%dma_wait3A_331, %dma_wait3A_333, %dma_wait3A_334] : memref<4x160x64xf32, #tpu.memory_space<vmem>> -> memref<1x160x64xf32, #tpu.memory_space<vmem>>
        %dma_wait3A_336 = tpu.memref_squeeze %dma_wait3A_335 : memref<1x160x64xf32, #tpu.memory_space<vmem>> -> memref<160x64xf32, #tpu.memory_space<vmem>>
        %dma_wait3A_337 = arith.constant 0 : i32
        %dma_wait3A_338 = tpu.memref_slice %arg7[%add3A_330, %dma_wait3A_337] : memref<125x160xi32, #tpu.memory_space<vmem>> -> memref<1x160xi32, #tpu.memory_space<vmem>>
        %dma_wait3A_339 = tpu.memref_squeeze %dma_wait3A_338 : memref<1x160xi32, #tpu.memory_space<vmem>> -> memref<160xi32, #tpu.memory_space<vmem>>
        %dma_wait3A_340 = arith.constant 0 : i32
        %dma_wait3A_341 = arith.constant 0 : i32
        %dma_wait3A_342 = tpu.memref_slice %arg4[%dma_wait3A_340, %dma_wait3A_341] : memref<10000x64xf32, #tpu.memory_space<hbm>> -> memref<10000x64xf32, #tpu.memory_space<hbm>>
        %dma_wait3A_343 = tpu.memref_slice %arg13[%dma_wait3A_332] : memref<4x!tpu.dma_semaphore, #tpu.memory_space<semaphore_mem>> -> memref<1x!tpu.dma_semaphore, #tpu.memory_space<semaphore_mem>>
        %dma_wait3A_344 = tpu.memref_squeeze %dma_wait3A_343 : memref<1x!tpu.dma_semaphore, #tpu.memory_space<semaphore_mem>> -> memref<!tpu.dma_semaphore, #tpu.memory_space<semaphore_mem>>
        tpu.wait_indirect_dma semaphore(%dma_wait3A_344 : memref<!tpu.dma_semaphore, #tpu.memory_space<semaphore_mem>>) src(%dma_wait3A_342 : memref<10000x64xf32, #tpu.memory_space<hbm>>) dst(%dma_wait3A_336 : memref<160x64xf32, #tpu.memory_space<vmem>>)
        %add3A_345 = arith.constant 3 : i32
        %add3A_346 = arith.addi %mul3A_232, %add3A_345 : i32
        %dma_start3A_347 = arith.constant 3 : i32
        %dma_start3A_348 = arith.constant 3 : i32
        %dma_start3A_349 = arith.constant 0 : i32
        %dma_start3A_350 = arith.constant 0 : i32
        %dma_start3A_351 = tpu.memref_slice %arg10[%dma_start3A_347, %dma_start3A_349, %dma_start3A_350] : memref<4x160x64xf32, #tpu.memory_space<vmem>> -> memref<1x160x64xf32, #tpu.memory_space<vmem>>
        %dma_start3A_352 = tpu.memref_squeeze %dma_start3A_351 : memref<1x160x64xf32, #tpu.memory_space<vmem>> -> memref<160x64xf32, #tpu.memory_space<vmem>>
        %dma_start3A_353 = arith.constant 0 : i32
        %dma_start3A_354 = tpu.memref_slice %arg8[%add3A_346, %dma_start3A_353] : memref<125x160xi32, #tpu.memory_space<vmem>> -> memref<1x160xi32, #tpu.memory_space<vmem>>
        %dma_start3A_355 = tpu.memref_squeeze %dma_start3A_354 : memref<1x160xi32, #tpu.memory_space<vmem>> -> memref<160xi32, #tpu.memory_space<vmem>>
        %dma_start3A_356 = arith.constant 0 : i32
        %dma_start3A_357 = arith.constant 0 : i32
        %dma_start3A_358 = tpu.memref_slice %arg12[%dma_start3A_356, %dma_start3A_357] : memref<10000x64xf32, #tpu.memory_space<vmem_shared>> -> memref<10000x64xf32, #tpu.memory_space<vmem_shared>>
        %dma_start3A_359 = tpu.memref_slice %arg14[%dma_start3A_348] : memref<4x!tpu.dma_semaphore, #tpu.memory_space<semaphore_mem>> -> memref<1x!tpu.dma_semaphore, #tpu.memory_space<semaphore_mem>>
        %dma_start3A_360 = tpu.memref_squeeze %dma_start3A_359 : memref<1x!tpu.dma_semaphore, #tpu.memory_space<semaphore_mem>> -> memref<!tpu.dma_semaphore, #tpu.memory_space<semaphore_mem>>
        tpu.enqueue_indirect_dma source(%dma_start3A_352 : memref<160x64xf32, #tpu.memory_space<vmem>>) target(%dma_start3A_358 : memref<10000x64xf32, #tpu.memory_space<vmem_shared>>) offsets(%dma_start3A_355 : memref<160xi32, #tpu.memory_space<vmem>>) semaphore(%dma_start3A_360 : memref<!tpu.dma_semaphore, #tpu.memory_space<semaphore_mem>>) {add = true}
        %add3A_361 = arith.constant 0 : i32
        %add3A_362 = arith.addi %mul3A_232, %add3A_361 : i32
        %dma_wait3A_363 = arith.constant 0 : i32
        %dma_wait3A_364 = arith.constant 0 : i32
        %dma_wait3A_365 = arith.constant 0 : i32
        %dma_wait3A_366 = arith.constant 0 : i32
        %dma_wait3A_367 = tpu.memref_slice %arg10[%dma_wait3A_363, %dma_wait3A_365, %dma_wait3A_366] : memref<4x160x64xf32, #tpu.memory_space<vmem>> -> memref<1x160x64xf32, #tpu.memory_space<vmem>>
        %dma_wait3A_368 = tpu.memref_squeeze %dma_wait3A_367 : memref<1x160x64xf32, #tpu.memory_space<vmem>> -> memref<160x64xf32, #tpu.memory_space<vmem>>
        %dma_wait3A_369 = arith.constant 0 : i32
        %dma_wait3A_370 = tpu.memref_slice %arg8[%add3A_362, %dma_wait3A_369] : memref<125x160xi32, #tpu.memory_space<vmem>> -> memref<1x160xi32, #tpu.memory_space<vmem>>
        %dma_wait3A_371 = tpu.memref_squeeze %dma_wait3A_370 : memref<1x160xi32, #tpu.memory_space<vmem>> -> memref<160xi32, #tpu.memory_space<vmem>>
        %dma_wait3A_372 = arith.constant 0 : i32
        %dma_wait3A_373 = arith.constant 0 : i32
        %dma_wait3A_374 = tpu.memref_slice %arg12[%dma_wait3A_372, %dma_wait3A_373] : memref<10000x64xf32, #tpu.memory_space<vmem_shared>> -> memref<10000x64xf32, #tpu.memory_space<vmem_shared>>
        %dma_wait3A_375 = tpu.memref_slice %arg14[%dma_wait3A_364] : memref<4x!tpu.dma_semaphore, #tpu.memory_space<semaphore_mem>> -> memref<1x!tpu.dma_semaphore, #tpu.memory_space<semaphore_mem>>
        %dma_wait3A_376 = tpu.memref_squeeze %dma_wait3A_375 : memref<1x!tpu.dma_semaphore, #tpu.memory_space<semaphore_mem>> -> memref<!tpu.dma_semaphore, #tpu.memory_space<semaphore_mem>>
        tpu.wait_indirect_dma semaphore(%dma_wait3A_376 : memref<!tpu.dma_semaphore, #tpu.memory_space<semaphore_mem>>) src(%dma_wait3A_368 : memref<160x64xf32, #tpu.memory_space<vmem>>) dst(%dma_wait3A_374 : memref<10000x64xf32, #tpu.memory_space<vmem_shared>>)
        %add3A_377 = arith.constant 4 : i32
        %add3A_378 = arith.addi %mul3A_232, %add3A_377 : i32
        %add3A_379 = arith.constant 0 : i32
        %add3A_380 = arith.addi %add3A_378, %add3A_379 : i32
        %lt3A = arith.constant 125 : i32
        %lt3A_381 = arith.cmpi slt, %add3A_380, %lt3A : i32
        %convert_element_type3A_382 = arith.extui %lt3A_381 : i1 to i32
        %cond3A_383 = arith.constant 0 : i32
        %cond3A_384 = arith.cmpi ne, %convert_element_type3A_382, %cond3A_383 : i32
        scf.if %cond3A_384 {
          %dma_start3A_460 = arith.constant 0 : i32
          %dma_start3A_461 = arith.constant 0 : i32
          %dma_start3A_462 = arith.constant 0 : i32
          %dma_start3A_463 = arith.constant 0 : i32
          %dma_start3A_464 = tpu.memref_slice %arg10[%dma_start3A_460, %dma_start3A_462, %dma_start3A_463] : memref<4x160x64xf32, #tpu.memory_space<vmem>> -> memref<1x160x64xf32, #tpu.memory_space<vmem>>
          %dma_start3A_465 = tpu.memref_squeeze %dma_start3A_464 : memref<1x160x64xf32, #tpu.memory_space<vmem>> -> memref<160x64xf32, #tpu.memory_space<vmem>>
          %dma_start3A_466 = arith.constant 0 : i32
          %dma_start3A_467 = tpu.memref_slice %arg7[%add3A_380, %dma_start3A_466] : memref<125x160xi32, #tpu.memory_space<vmem>> -> memref<1x160xi32, #tpu.memory_space<vmem>>
          %dma_start3A_468 = tpu.memref_squeeze %dma_start3A_467 : memref<1x160xi32, #tpu.memory_space<vmem>> -> memref<160xi32, #tpu.memory_space<vmem>>
          %dma_start3A_469 = arith.constant 0 : i32
          %dma_start3A_470 = arith.constant 0 : i32
          %dma_start3A_471 = tpu.memref_slice %arg4[%dma_start3A_469, %dma_start3A_470] : memref<10000x64xf32, #tpu.memory_space<hbm>> -> memref<10000x64xf32, #tpu.memory_space<hbm>>
          %dma_start3A_472 = tpu.memref_slice %arg13[%dma_start3A_461] : memref<4x!tpu.dma_semaphore, #tpu.memory_space<semaphore_mem>> -> memref<1x!tpu.dma_semaphore, #tpu.memory_space<semaphore_mem>>
          %dma_start3A_473 = tpu.memref_squeeze %dma_start3A_472 : memref<1x!tpu.dma_semaphore, #tpu.memory_space<semaphore_mem>> -> memref<!tpu.dma_semaphore, #tpu.memory_space<semaphore_mem>>
          tpu.enqueue_indirect_dma source(%dma_start3A_471 : memref<10000x64xf32, #tpu.memory_space<hbm>>) target(%dma_start3A_465 : memref<160x64xf32, #tpu.memory_space<vmem>>) offsets(%dma_start3A_468 : memref<160xi32, #tpu.memory_space<vmem>>) semaphore(%dma_start3A_473 : memref<!tpu.dma_semaphore, #tpu.memory_space<semaphore_mem>>)
        } else {
        }
        %add3A_385 = arith.constant 1 : i32
        %add3A_386 = arith.addi %mul3A_232, %add3A_385 : i32
        %dma_wait3A_387 = arith.constant 1 : i32
        %dma_wait3A_388 = arith.constant 1 : i32
        %dma_wait3A_389 = arith.constant 0 : i32
        %dma_wait3A_390 = arith.constant 0 : i32
        %dma_wait3A_391 = tpu.memref_slice %arg10[%dma_wait3A_387, %dma_wait3A_389, %dma_wait3A_390] : memref<4x160x64xf32, #tpu.memory_space<vmem>> -> memref<1x160x64xf32, #tpu.memory_space<vmem>>
        %dma_wait3A_392 = tpu.memref_squeeze %dma_wait3A_391 : memref<1x160x64xf32, #tpu.memory_space<vmem>> -> memref<160x64xf32, #tpu.memory_space<vmem>>
        %dma_wait3A_393 = arith.constant 0 : i32
        %dma_wait3A_394 = tpu.memref_slice %arg8[%add3A_386, %dma_wait3A_393] : memref<125x160xi32, #tpu.memory_space<vmem>> -> memref<1x160xi32, #tpu.memory_space<vmem>>
        %dma_wait3A_395 = tpu.memref_squeeze %dma_wait3A_394 : memref<1x160xi32, #tpu.memory_space<vmem>> -> memref<160xi32, #tpu.memory_space<vmem>>
        %dma_wait3A_396 = arith.constant 0 : i32
        %dma_wait3A_397 = arith.constant 0 : i32
        %dma_wait3A_398 = tpu.memref_slice %arg12[%dma_wait3A_396, %dma_wait3A_397] : memref<10000x64xf32, #tpu.memory_space<vmem_shared>> -> memref<10000x64xf32, #tpu.memory_space<vmem_shared>>
        %dma_wait3A_399 = tpu.memref_slice %arg14[%dma_wait3A_388] : memref<4x!tpu.dma_semaphore, #tpu.memory_space<semaphore_mem>> -> memref<1x!tpu.dma_semaphore, #tpu.memory_space<semaphore_mem>>
        %dma_wait3A_400 = tpu.memref_squeeze %dma_wait3A_399 : memref<1x!tpu.dma_semaphore, #tpu.memory_space<semaphore_mem>> -> memref<!tpu.dma_semaphore, #tpu.memory_space<semaphore_mem>>
        tpu.wait_indirect_dma semaphore(%dma_wait3A_400 : memref<!tpu.dma_semaphore, #tpu.memory_space<semaphore_mem>>) src(%dma_wait3A_392 : memref<160x64xf32, #tpu.memory_space<vmem>>) dst(%dma_wait3A_398 : memref<10000x64xf32, #tpu.memory_space<vmem_shared>>)
        %add3A_401 = arith.constant 4 : i32
        %add3A_402 = arith.addi %mul3A_232, %add3A_401 : i32
        %add3A_403 = arith.constant 1 : i32
        %add3A_404 = arith.addi %add3A_402, %add3A_403 : i32
        %lt3A_405 = arith.constant 125 : i32
        %lt3A_406 = arith.cmpi slt, %add3A_404, %lt3A_405 : i32
        %convert_element_type3A_407 = arith.extui %lt3A_406 : i1 to i32
        %cond3A_408 = arith.constant 0 : i32
        %cond3A_409 = arith.cmpi ne, %convert_element_type3A_407, %cond3A_408 : i32
        scf.if %cond3A_409 {
          %dma_start3A_460 = arith.constant 1 : i32
          %dma_start3A_461 = arith.constant 1 : i32
          %dma_start3A_462 = arith.constant 0 : i32
          %dma_start3A_463 = arith.constant 0 : i32
          %dma_start3A_464 = tpu.memref_slice %arg10[%dma_start3A_460, %dma_start3A_462, %dma_start3A_463] : memref<4x160x64xf32, #tpu.memory_space<vmem>> -> memref<1x160x64xf32, #tpu.memory_space<vmem>>
          %dma_start3A_465 = tpu.memref_squeeze %dma_start3A_464 : memref<1x160x64xf32, #tpu.memory_space<vmem>> -> memref<160x64xf32, #tpu.memory_space<vmem>>
          %dma_start3A_466 = arith.constant 0 : i32
          %dma_start3A_467 = tpu.memref_slice %arg7[%add3A_404, %dma_start3A_466] : memref<125x160xi32, #tpu.memory_space<vmem>> -> memref<1x160xi32, #tpu.memory_space<vmem>>
          %dma_start3A_468 = tpu.memref_squeeze %dma_start3A_467 : memref<1x160xi32, #tpu.memory_space<vmem>> -> memref<160xi32, #tpu.memory_space<vmem>>
          %dma_start3A_469 = arith.constant 0 : i32
          %dma_start3A_470 = arith.constant 0 : i32
          %dma_start3A_471 = tpu.memref_slice %arg4[%dma_start3A_469, %dma_start3A_470] : memref<10000x64xf32, #tpu.memory_space<hbm>> -> memref<10000x64xf32, #tpu.memory_space<hbm>>
          %dma_start3A_472 = tpu.memref_slice %arg13[%dma_start3A_461] : memref<4x!tpu.dma_semaphore, #tpu.memory_space<semaphore_mem>> -> memref<1x!tpu.dma_semaphore, #tpu.memory_space<semaphore_mem>>
          %dma_start3A_473 = tpu.memref_squeeze %dma_start3A_472 : memref<1x!tpu.dma_semaphore, #tpu.memory_space<semaphore_mem>> -> memref<!tpu.dma_semaphore, #tpu.memory_space<semaphore_mem>>
          tpu.enqueue_indirect_dma source(%dma_start3A_471 : memref<10000x64xf32, #tpu.memory_space<hbm>>) target(%dma_start3A_465 : memref<160x64xf32, #tpu.memory_space<vmem>>) offsets(%dma_start3A_468 : memref<160xi32, #tpu.memory_space<vmem>>) semaphore(%dma_start3A_473 : memref<!tpu.dma_semaphore, #tpu.memory_space<semaphore_mem>>)
        } else {
        }
        %add3A_410 = arith.constant 2 : i32
        %add3A_411 = arith.addi %mul3A_232, %add3A_410 : i32
        %dma_wait3A_412 = arith.constant 2 : i32
        %dma_wait3A_413 = arith.constant 2 : i32
        %dma_wait3A_414 = arith.constant 0 : i32
        %dma_wait3A_415 = arith.constant 0 : i32
        %dma_wait3A_416 = tpu.memref_slice %arg10[%dma_wait3A_412, %dma_wait3A_414, %dma_wait3A_415] : memref<4x160x64xf32, #tpu.memory_space<vmem>> -> memref<1x160x64xf32, #tpu.memory_space<vmem>>
        %dma_wait3A_417 = tpu.memref_squeeze %dma_wait3A_416 : memref<1x160x64xf32, #tpu.memory_space<vmem>> -> memref<160x64xf32, #tpu.memory_space<vmem>>
        %dma_wait3A_418 = arith.constant 0 : i32
        %dma_wait3A_419 = tpu.memref_slice %arg8[%add3A_411, %dma_wait3A_418] : memref<125x160xi32, #tpu.memory_space<vmem>> -> memref<1x160xi32, #tpu.memory_space<vmem>>
        %dma_wait3A_420 = tpu.memref_squeeze %dma_wait3A_419 : memref<1x160xi32, #tpu.memory_space<vmem>> -> memref<160xi32, #tpu.memory_space<vmem>>
        %dma_wait3A_421 = arith.constant 0 : i32
        %dma_wait3A_422 = arith.constant 0 : i32
        %dma_wait3A_423 = tpu.memref_slice %arg12[%dma_wait3A_421, %dma_wait3A_422] : memref<10000x64xf32, #tpu.memory_space<vmem_shared>> -> memref<10000x64xf32, #tpu.memory_space<vmem_shared>>
        %dma_wait3A_424 = tpu.memref_slice %arg14[%dma_wait3A_413] : memref<4x!tpu.dma_semaphore, #tpu.memory_space<semaphore_mem>> -> memref<1x!tpu.dma_semaphore, #tpu.memory_space<semaphore_mem>>
        %dma_wait3A_425 = tpu.memref_squeeze %dma_wait3A_424 : memref<1x!tpu.dma_semaphore, #tpu.memory_space<semaphore_mem>> -> memref<!tpu.dma_semaphore, #tpu.memory_space<semaphore_mem>>
        tpu.wait_indirect_dma semaphore(%dma_wait3A_425 : memref<!tpu.dma_semaphore, #tpu.memory_space<semaphore_mem>>) src(%dma_wait3A_417 : memref<160x64xf32, #tpu.memory_space<vmem>>) dst(%dma_wait3A_423 : memref<10000x64xf32, #tpu.memory_space<vmem_shared>>)
        %add3A_426 = arith.constant 4 : i32
        %add3A_427 = arith.addi %mul3A_232, %add3A_426 : i32
        %add3A_428 = arith.constant 2 : i32
        %add3A_429 = arith.addi %add3A_427, %add3A_428 : i32
        %lt3A_430 = arith.constant 125 : i32
        %lt3A_431 = arith.cmpi slt, %add3A_429, %lt3A_430 : i32
        %convert_element_type3A_432 = arith.extui %lt3A_431 : i1 to i32
        %cond3A_433 = arith.constant 0 : i32
        %cond3A_434 = arith.cmpi ne, %convert_element_type3A_432, %cond3A_433 : i32
        scf.if %cond3A_434 {
          %dma_start3A_460 = arith.constant 2 : i32
          %dma_start3A_461 = arith.constant 2 : i32
          %dma_start3A_462 = arith.constant 0 : i32
          %dma_start3A_463 = arith.constant 0 : i32
          %dma_start3A_464 = tpu.memref_slice %arg10[%dma_start3A_460, %dma_start3A_462, %dma_start3A_463] : memref<4x160x64xf32, #tpu.memory_space<vmem>> -> memref<1x160x64xf32, #tpu.memory_space<vmem>>
          %dma_start3A_465 = tpu.memref_squeeze %dma_start3A_464 : memref<1x160x64xf32, #tpu.memory_space<vmem>> -> memref<160x64xf32, #tpu.memory_space<vmem>>
          %dma_start3A_466 = arith.constant 0 : i32
          %dma_start3A_467 = tpu.memref_slice %arg7[%add3A_429, %dma_start3A_466] : memref<125x160xi32, #tpu.memory_space<vmem>> -> memref<1x160xi32, #tpu.memory_space<vmem>>
          %dma_start3A_468 = tpu.memref_squeeze %dma_start3A_467 : memref<1x160xi32, #tpu.memory_space<vmem>> -> memref<160xi32, #tpu.memory_space<vmem>>
          %dma_start3A_469 = arith.constant 0 : i32
          %dma_start3A_470 = arith.constant 0 : i32
          %dma_start3A_471 = tpu.memref_slice %arg4[%dma_start3A_469, %dma_start3A_470] : memref<10000x64xf32, #tpu.memory_space<hbm>> -> memref<10000x64xf32, #tpu.memory_space<hbm>>
          %dma_start3A_472 = tpu.memref_slice %arg13[%dma_start3A_461] : memref<4x!tpu.dma_semaphore, #tpu.memory_space<semaphore_mem>> -> memref<1x!tpu.dma_semaphore, #tpu.memory_space<semaphore_mem>>
          %dma_start3A_473 = tpu.memref_squeeze %dma_start3A_472 : memref<1x!tpu.dma_semaphore, #tpu.memory_space<semaphore_mem>> -> memref<!tpu.dma_semaphore, #tpu.memory_space<semaphore_mem>>
          tpu.enqueue_indirect_dma source(%dma_start3A_471 : memref<10000x64xf32, #tpu.memory_space<hbm>>) target(%dma_start3A_465 : memref<160x64xf32, #tpu.memory_space<vmem>>) offsets(%dma_start3A_468 : memref<160xi32, #tpu.memory_space<vmem>>) semaphore(%dma_start3A_473 : memref<!tpu.dma_semaphore, #tpu.memory_space<semaphore_mem>>)
        } else {
        }
        %add3A_435 = arith.constant 3 : i32
        %add3A_436 = arith.addi %mul3A_232, %add3A_435 : i32
        %dma_wait3A_437 = arith.constant 3 : i32
        %dma_wait3A_438 = arith.constant 3 : i32
        %dma_wait3A_439 = arith.constant 0 : i32
        %dma_wait3A_440 = arith.constant 0 : i32
        %dma_wait3A_441 = tpu.memref_slice %arg10[%dma_wait3A_437, %dma_wait3A_439, %dma_wait3A_440] : memref<4x160x64xf32, #tpu.memory_space<vmem>> -> memref<1x160x64xf32, #tpu.memory_space<vmem>>
        %dma_wait3A_442 = tpu.memref_squeeze %dma_wait3A_441 : memref<1x160x64xf32, #tpu.memory_space<vmem>> -> memref<160x64xf32, #tpu.memory_space<vmem>>
        %dma_wait3A_443 = arith.constant 0 : i32
        %dma_wait3A_444 = tpu.memref_slice %arg8[%add3A_436, %dma_wait3A_443] : memref<125x160xi32, #tpu.memory_space<vmem>> -> memref<1x160xi32, #tpu.memory_space<vmem>>
        %dma_wait3A_445 = tpu.memref_squeeze %dma_wait3A_444 : memref<1x160xi32, #tpu.memory_space<vmem>> -> memref<160xi32, #tpu.memory_space<vmem>>
        %dma_wait3A_446 = arith.constant 0 : i32
        %dma_wait3A_447 = arith.constant 0 : i32
        %dma_wait3A_448 = tpu.memref_slice %arg12[%dma_wait3A_446, %dma_wait3A_447] : memref<10000x64xf32, #tpu.memory_space<vmem_shared>> -> memref<10000x64xf32, #tpu.memory_space<vmem_shared>>
        %dma_wait3A_449 = tpu.memref_slice %arg14[%dma_wait3A_438] : memref<4x!tpu.dma_semaphore, #tpu.memory_space<semaphore_mem>> -> memref<1x!tpu.dma_semaphore, #tpu.memory_space<semaphore_mem>>
        %dma_wait3A_450 = tpu.memref_squeeze %dma_wait3A_449 : memref<1x!tpu.dma_semaphore, #tpu.memory_space<semaphore_mem>> -> memref<!tpu.dma_semaphore, #tpu.memory_space<semaphore_mem>>
        tpu.wait_indirect_dma semaphore(%dma_wait3A_450 : memref<!tpu.dma_semaphore, #tpu.memory_space<semaphore_mem>>) src(%dma_wait3A_442 : memref<160x64xf32, #tpu.memory_space<vmem>>) dst(%dma_wait3A_448 : memref<10000x64xf32, #tpu.memory_space<vmem_shared>>)
        %add3A_451 = arith.constant 4 : i32
        %add3A_452 = arith.addi %mul3A_232, %add3A_451 : i32
        %add3A_453 = arith.constant 3 : i32
        %add3A_454 = arith.addi %add3A_452, %add3A_453 : i32
        %lt3A_455 = arith.constant 125 : i32
        %lt3A_456 = arith.cmpi slt, %add3A_454, %lt3A_455 : i32
        %convert_element_type3A_457 = arith.extui %lt3A_456 : i1 to i32
        %cond3A_458 = arith.constant 0 : i32
        %cond3A_459 = arith.cmpi ne, %convert_element_type3A_457, %cond3A_458 : i32
        scf.if %cond3A_459 {
          %dma_start3A_460 = arith.constant 3 : i32
          %dma_start3A_461 = arith.constant 3 : i32
          %dma_start3A_462 = arith.constant 0 : i32
          %dma_start3A_463 = arith.constant 0 : i32
          %dma_start3A_464 = tpu.memref_slice %arg10[%dma_start3A_460, %dma_start3A_462, %dma_start3A_463] : memref<4x160x64xf32, #tpu.memory_space<vmem>> -> memref<1x160x64xf32, #tpu.memory_space<vmem>>
          %dma_start3A_465 = tpu.memref_squeeze %dma_start3A_464 : memref<1x160x64xf32, #tpu.memory_space<vmem>> -> memref<160x64xf32, #tpu.memory_space<vmem>>
          %dma_start3A_466 = arith.constant 0 : i32
          %dma_start3A_467 = tpu.memref_slice %arg7[%add3A_454, %dma_start3A_466] : memref<125x160xi32, #tpu.memory_space<vmem>> -> memref<1x160xi32, #tpu.memory_space<vmem>>
          %dma_start3A_468 = tpu.memref_squeeze %dma_start3A_467 : memref<1x160xi32, #tpu.memory_space<vmem>> -> memref<160xi32, #tpu.memory_space<vmem>>
          %dma_start3A_469 = arith.constant 0 : i32
          %dma_start3A_470 = arith.constant 0 : i32
          %dma_start3A_471 = tpu.memref_slice %arg4[%dma_start3A_469, %dma_start3A_470] : memref<10000x64xf32, #tpu.memory_space<hbm>> -> memref<10000x64xf32, #tpu.memory_space<hbm>>
          %dma_start3A_472 = tpu.memref_slice %arg13[%dma_start3A_461] : memref<4x!tpu.dma_semaphore, #tpu.memory_space<semaphore_mem>> -> memref<1x!tpu.dma_semaphore, #tpu.memory_space<semaphore_mem>>
          %dma_start3A_473 = tpu.memref_squeeze %dma_start3A_472 : memref<1x!tpu.dma_semaphore, #tpu.memory_space<semaphore_mem>> -> memref<!tpu.dma_semaphore, #tpu.memory_space<semaphore_mem>>
          tpu.enqueue_indirect_dma source(%dma_start3A_471 : memref<10000x64xf32, #tpu.memory_space<hbm>>) target(%dma_start3A_465 : memref<160x64xf32, #tpu.memory_space<vmem>>) offsets(%dma_start3A_468 : memref<160xi32, #tpu.memory_space<vmem>>) semaphore(%dma_start3A_473 : memref<!tpu.dma_semaphore, #tpu.memory_space<semaphore_mem>>)
        } else {
        }
      }
      %scan3A_185 = arith.constant 31 : i32
      %dma_wait3A = arith.constant 124 : i32
      %dma_wait3A_186 = arith.constant 0 : i32
      %dma_wait3A_187 = arith.constant 0 : i32
      %dma_wait3A_188 = arith.constant 0 : i32
      %dma_wait3A_189 = arith.constant 0 : i32
      %dma_wait3A_190 = tpu.memref_slice %arg10[%dma_wait3A_186, %dma_wait3A_188, %dma_wait3A_189] : memref<4x160x64xf32, #tpu.memory_space<vmem>> -> memref<1x160x64xf32, #tpu.memory_space<vmem>>
      %dma_wait3A_191 = tpu.memref_squeeze %dma_wait3A_190 : memref<1x160x64xf32, #tpu.memory_space<vmem>> -> memref<160x64xf32, #tpu.memory_space<vmem>>
      %dma_wait3A_192 = arith.constant 0 : i32
      %dma_wait3A_193 = tpu.memref_slice %arg7[%dma_wait3A, %dma_wait3A_192] : memref<125x160xi32, #tpu.memory_space<vmem>> -> memref<1x160xi32, #tpu.memory_space<vmem>>
      %dma_wait3A_194 = tpu.memref_squeeze %dma_wait3A_193 : memref<1x160xi32, #tpu.memory_space<vmem>> -> memref<160xi32, #tpu.memory_space<vmem>>
      %dma_wait3A_195 = arith.constant 0 : i32
      %dma_wait3A_196 = arith.constant 0 : i32
      %dma_wait3A_197 = tpu.memref_slice %arg4[%dma_wait3A_195, %dma_wait3A_196] : memref<10000x64xf32, #tpu.memory_space<hbm>> -> memref<10000x64xf32, #tpu.memory_space<hbm>>
      %dma_wait3A_198 = tpu.memref_slice %arg13[%dma_wait3A_187] : memref<4x!tpu.dma_semaphore, #tpu.memory_space<semaphore_mem>> -> memref<1x!tpu.dma_semaphore, #tpu.memory_space<semaphore_mem>>
      %dma_wait3A_199 = tpu.memref_squeeze %dma_wait3A_198 : memref<1x!tpu.dma_semaphore, #tpu.memory_space<semaphore_mem>> -> memref<!tpu.dma_semaphore, #tpu.memory_space<semaphore_mem>>
      tpu.wait_indirect_dma semaphore(%dma_wait3A_199 : memref<!tpu.dma_semaphore, #tpu.memory_space<semaphore_mem>>) src(%dma_wait3A_197 : memref<10000x64xf32, #tpu.memory_space<hbm>>) dst(%dma_wait3A_191 : memref<160x64xf32, #tpu.memory_space<vmem>>)
      %dma_start3A_200 = arith.constant 0 : i32
      %dma_start3A_201 = arith.constant 124 : i32
      %dma_start3A_202 = arith.constant 0 : i32
      %dma_start3A_203 = arith.constant 0 : i32
      %dma_start3A_204 = arith.constant 0 : i32
      %dma_start3A_205 = tpu.memref_slice %arg10[%dma_start3A_200, %dma_start3A_203, %dma_start3A_204] : memref<4x160x64xf32, #tpu.memory_space<vmem>> -> memref<1x160x64xf32, #tpu.memory_space<vmem>>
      %dma_start3A_206 = tpu.memref_squeeze %dma_start3A_205 : memref<1x160x64xf32, #tpu.memory_space<vmem>> -> memref<160x64xf32, #tpu.memory_space<vmem>>
      %dma_start3A_207 = arith.constant 0 : i32
      %dma_start3A_208 = tpu.memref_slice %arg8[%dma_start3A_201, %dma_start3A_207] : memref<125x160xi32, #tpu.memory_space<vmem>> -> memref<1x160xi32, #tpu.memory_space<vmem>>
      %dma_start3A_209 = tpu.memref_squeeze %dma_start3A_208 : memref<1x160xi32, #tpu.memory_space<vmem>> -> memref<160xi32, #tpu.memory_space<vmem>>
      %dma_start3A_210 = arith.constant 0 : i32
      %dma_start3A_211 = arith.constant 0 : i32
      %dma_start3A_212 = tpu.memref_slice %arg12[%dma_start3A_210, %dma_start3A_211] : memref<10000x64xf32, #tpu.memory_space<vmem_shared>> -> memref<10000x64xf32, #tpu.memory_space<vmem_shared>>
      %dma_start3A_213 = tpu.memref_slice %arg14[%dma_start3A_202] : memref<4x!tpu.dma_semaphore, #tpu.memory_space<semaphore_mem>> -> memref<1x!tpu.dma_semaphore, #tpu.memory_space<semaphore_mem>>
      %dma_start3A_214 = tpu.memref_squeeze %dma_start3A_213 : memref<1x!tpu.dma_semaphore, #tpu.memory_space<semaphore_mem>> -> memref<!tpu.dma_semaphore, #tpu.memory_space<semaphore_mem>>
      tpu.enqueue_indirect_dma source(%dma_start3A_206 : memref<160x64xf32, #tpu.memory_space<vmem>>) target(%dma_start3A_212 : memref<10000x64xf32, #tpu.memory_space<vmem_shared>>) offsets(%dma_start3A_209 : memref<160xi32, #tpu.memory_space<vmem>>) semaphore(%dma_start3A_214 : memref<!tpu.dma_semaphore, #tpu.memory_space<semaphore_mem>>) {add = true}
      %dma_wait3A_215 = arith.constant 0 : i32
      %dma_wait3A_216 = arith.constant 124 : i32
      %dma_wait3A_217 = arith.constant 0 : i32
      %dma_wait3A_218 = arith.constant 0 : i32
      %dma_wait3A_219 = arith.constant 0 : i32
      %dma_wait3A_220 = tpu.memref_slice %arg10[%dma_wait3A_215, %dma_wait3A_218, %dma_wait3A_219] : memref<4x160x64xf32, #tpu.memory_space<vmem>> -> memref<1x160x64xf32, #tpu.memory_space<vmem>>
      %dma_wait3A_221 = tpu.memref_squeeze %dma_wait3A_220 : memref<1x160x64xf32, #tpu.memory_space<vmem>> -> memref<160x64xf32, #tpu.memory_space<vmem>>
      %dma_wait3A_222 = arith.constant 0 : i32
      %dma_wait3A_223 = tpu.memref_slice %arg8[%dma_wait3A_216, %dma_wait3A_222] : memref<125x160xi32, #tpu.memory_space<vmem>> -> memref<1x160xi32, #tpu.memory_space<vmem>>
      %dma_wait3A_224 = tpu.memref_squeeze %dma_wait3A_223 : memref<1x160xi32, #tpu.memory_space<vmem>> -> memref<160xi32, #tpu.memory_space<vmem>>
      %dma_wait3A_225 = arith.constant 0 : i32
      %dma_wait3A_226 = arith.constant 0 : i32
      %dma_wait3A_227 = tpu.memref_slice %arg12[%dma_wait3A_225, %dma_wait3A_226] : memref<10000x64xf32, #tpu.memory_space<vmem_shared>> -> memref<10000x64xf32, #tpu.memory_space<vmem_shared>>
      %dma_wait3A_228 = tpu.memref_slice %arg14[%dma_wait3A_217] : memref<4x!tpu.dma_semaphore, #tpu.memory_space<semaphore_mem>> -> memref<1x!tpu.dma_semaphore, #tpu.memory_space<semaphore_mem>>
      %dma_wait3A_229 = tpu.memref_squeeze %dma_wait3A_228 : memref<1x!tpu.dma_semaphore, #tpu.memory_space<semaphore_mem>> -> memref<!tpu.dma_semaphore, #tpu.memory_space<semaphore_mem>>
      tpu.wait_indirect_dma semaphore(%dma_wait3A_229 : memref<!tpu.dma_semaphore, #tpu.memory_space<semaphore_mem>>) src(%dma_wait3A_221 : memref<160x64xf32, #tpu.memory_space<vmem>>) dst(%dma_wait3A_227 : memref<10000x64xf32, #tpu.memory_space<vmem_shared>>)
    } else {
    }
    %barrier3A_116 = arith.constant 0 : index
    tpu.barrier barrier_id(%barrier3A_116)
    %mul3A_117 = arith.constant 625 : i32
    %mul3A_118 = arith.muli %arg1, %mul3A_117 : i32
    %mul3A_119 = arith.constant 64 : i32
    %mul3A_120 = arith.muli %sub3A_0, %mul3A_119 : i32
    "tpu.region"() ({
      %run_scoped3A_121 = tpu.sem_alloc : memref<!tpu.dma_semaphore, #tpu.memory_space<semaphore_mem>>
      %dma_start3A = tpu.memref_slice %arg6[%mul3A_118, %mul3A_120] : memref<10000x128xf32, #tpu.memory_space<hbm>> -> memref<625x64xf32, #tpu.memory_space<hbm>>
      %dma_start3A_122 = arith.constant 0 : i32
      %dma_start3A_123 = tpu.memref_slice %arg12[%mul3A_118, %dma_start3A_122] : memref<10000x64xf32, #tpu.memory_space<vmem_shared>> -> memref<625x64xf32, #tpu.memory_space<vmem_shared>>
      tpu.enqueue_dma source(%dma_start3A_123 : memref<625x64xf32, #tpu.memory_space<vmem_shared>>) target(%dma_start3A : memref<625x64xf32, #tpu.memory_space<hbm>>) target_semaphore(%run_scoped3A_121 : memref<!tpu.dma_semaphore, #tpu.memory_space<semaphore_mem>>)
      %dma_wait3A = tpu.memref_slice %arg6[%mul3A_118, %mul3A_120] : memref<10000x128xf32, #tpu.memory_space<hbm>> -> memref<625x64xf32, #tpu.memory_space<hbm>>
      %dma_wait3A_124 = arith.constant 0 : i32
      %dma_wait3A_125 = tpu.memref_slice %arg12[%mul3A_118, %dma_wait3A_124] : memref<10000x64xf32, #tpu.memory_space<vmem_shared>> -> memref<625x64xf32, #tpu.memory_space<vmem_shared>>
      tpu.wait_dma2 semaphore(%run_scoped3A_121 : memref<!tpu.dma_semaphore, #tpu.memory_space<semaphore_mem>>) src(%dma_wait3A_125 : memref<625x64xf32, #tpu.memory_space<vmem_shared>>) dst(%dma_wait3A : memref<625x64xf32, #tpu.memory_space<hbm>>)
      tpu.yield
    }) : () -> ()
    return
  }
}

module attributes {stable_mosaic.version = 14 : i64} {
  func.func @body(%arg0: i32, %arg1: memref<2000x128xf32, #tpu.memory_space<vmem>>, %arg2: memref<128x128xf32, #tpu.memory_space<vmem>>, %arg3: memref<2000x64xf32, #tpu.memory_space<vmem>>, %arg4: memref<2000x64xf32, #tpu.memory_space<vmem>>) attributes {dimension_semantics = [#tpu.dimension_semantics<arbitrary>], iteration_bounds = array<i64: 5>, scalar_prefetch = 0 : i64, scratch_operands = 0 : i64, tpu.core_type = #tpu.core_type<tc>, window_params = [{transform_indices = @transform_0, window_bounds = array<i64: 2000, 128>}, {pipeline_mode = #tpu.pipeline_mode<synchronous>, transform_indices = @transform_1, window_bounds = array<i64: 128, 128>}, {transform_indices = @transform_2, window_bounds = array<i64: 2000, 64>}, {transform_indices = @transform_3, window_bounds = array<i64: 2000, 64>}]} {
    %get3A = arith.constant 0 : index
    %get3A_0 = arith.constant 0 : index
    %get3A_1 = vector.load %arg1[%get3A, %get3A_0] : memref<2000x128xf32, #tpu.memory_space<vmem>>, vector<2000x128xf32>
    %get3A_2 = arith.constant 0 : index
    %get3A_3 = arith.constant 0 : index
    %get3A_4 = vector.load %arg2[%get3A_2, %get3A_3] : memref<128x128xf32, #tpu.memory_space<vmem>>, vector<128x128xf32>
    %dot_general3A = arith.constant dense<0.000000e+00> : vector<2000x128xf32>
    %dot_general3A_5 = tpu.matmul %get3A_1, %get3A_4, %dot_general3A {dimension_numbers = #tpu.dot_dimension_numbers<[1], [0], [0], [1], [0, 0, 1, 1], [], []>, transpose_lhs_hint = false} : vector<2000x128xf32>, vector<128x128xf32>, vector<2000x128xf32> -> vector<2000x128xf32>
    %slice3A = vector.extract_strided_slice %dot_general3A_5 {offsets = [0, 0], sizes = [2000, 64], strides = [1, 1]} : vector<2000x128xf32> to vector<2000x64xf32>
    %swap3A = arith.constant 0 : index
    %swap3A_6 = arith.constant 0 : index
    %swap3A_7 = vector.load %arg3[%swap3A, %swap3A_6] : memref<2000x64xf32, #tpu.memory_space<vmem>>, vector<2000x64xf32>
    tpu.vector_store %arg3[%swap3A, %swap3A_6], %slice3A {strides = array<i32>} : memref<2000x64xf32, #tpu.memory_space<vmem>>, vector<2000x64xf32>,
    %slice3A_8 = vector.extract_strided_slice %dot_general3A_5 {offsets = [0, 64], sizes = [2000, 64], strides = [1, 1]} : vector<2000x128xf32> to vector<2000x64xf32>
    %swap3A_9 = arith.constant 0 : index
    %swap3A_10 = arith.constant 0 : index
    %swap3A_11 = vector.load %arg4[%swap3A_9, %swap3A_10] : memref<2000x64xf32, #tpu.memory_space<vmem>>, vector<2000x64xf32>
    tpu.vector_store %arg4[%swap3A_9, %swap3A_10], %slice3A_8 {strides = array<i32>} : memref<2000x64xf32, #tpu.memory_space<vmem>>, vector<2000x64xf32>,
    return
  }
  func.func @transform_0(%arg0: i32) -> (i32, i32) {
    %c0_i32 = arith.constant 0 : i32
    %c0_i32_0 = arith.constant 0 : i32
    return %arg0, %c0_i32 : i32, i32
  }
  func.func @transform_1(%arg0: i32) -> (i32, i32) {
    %c0_i32 = arith.constant 0 : i32
    %c0_i32_0 = arith.constant 0 : i32
    %c0_i32_1 = arith.constant 0 : i32
    return %c0_i32, %c0_i32_0 : i32, i32
  }
  func.func @transform_2(%arg0: i32) -> (i32, i32) {
    %c0_i32 = arith.constant 0 : i32
    %c0_i32_0 = arith.constant 0 : i32
    return %arg0, %c0_i32 : i32, i32
  }
  func.func @transform_3(%arg0: i32) -> (i32, i32) {
    %c0_i32 = arith.constant 0 : i32
    %c0_i32_0 = arith.constant 0 : i32
    return %arg0, %c0_i32 : i32, i32
  }
}

</mosaic_0001>

<sc_bundles>
// kernel: kernel.4.cloned.1.call-start
scs
__scs_entry_jumppad:
0x0: {  	(pc) =	sbr.rel $0x88, $3  }
0x1: {  	(tag) =	ssettag $0x0;
	lr =	simm.s32 $0x1  }
0x2: {  	[smem:$0x3F9D] =	sst lr;
	_ =	strace $0xD0000000  }
0x3: {  	_ = 	snop  }
0x4: {  	_ = 	snop  }
0x5: {  	_ = 	snop  }
0x6: {  	_ = 	snop  }
0x7: {  	_ = 	snop  }
__scs_overlays_trampoline_lowered:
0x8: {  	[smem:$0x3FAC] =	sst s0  }
0x9: {  	[smem:$0x3FAD] =	sst s1  }
0xa: {  	[smem:$0x3FAE] =	sst s2  }
0xb: {  	[smem:$0x3FAF] =	sst s3  }
0xc: {  	[smem:$0x3FB0] =	sst s4  }
0xd: {  	[smem:$0x3FB1] =	sst s5  }
0xe: {  	[smem:$0x3FB2] =	sst s6  }
0xf: {  	[smem:$0x3FB3] =	sst s7  }
0x10: {  	[smem:$0x3FB4] =	sst s8  }
0x11: {  	[smem:$0x3FB5] =	sst s9;
	s0 =	simm.s32 @!p0 $0x0  }
0x12: {  	s1 =	sld [smem:$0x3F9B];
	s0 =	simm.s32 @p0 $0x1  }
0x13: {  	[smem:$0x3FB6] =	sst s0;
	s0 =	simm.s32 @!p1 $0x0  }
0x14: {  	s2 =	sld [smem:$0x3F9A];
	s0 =	simm.s32 @p1 $0x1  }
0x15: {  	[smem:$0x3FB7] =	sst s0;
	s0 =	simm.s32 @!p2 $0x0  }
0x16: {  	s3 =	sld [smem:$0x3FDB];
	s0 =	simm.s32 @p2 $0x1  }
0x17: {  	s4 =	simm.s32 $0x1BF5;
	[smem:$0x3FB9] =	sst s0  }
0x18: {  	s0 =	sld [smem:$0x3F9C];
	_ =	swait.ge [sflag:s4], $0x0  }
0x19: {  	s7 =	sld [smem:$0x3F9D]  }
0x1a: {  	s8 =	sadd.s32 $0xFFFFE003, lr  }
0x1b: {  	s9 =	sadd.s32 $0xFFFFFEF7, lr;
	s5 =	simm.s32 $0xFFFFFFFF;
	p2 =	slt.u32 s8, $0xFFFFF086  }
0x1c: {  	p1 =	slt.u32 s9, $0xF7A;
	s5 =	simm.s32 @!p2 $0x0  }
0x1d: {  	s5 =	simm.s32 @p1 $0x1;
	p0 =	seq.s32 s7, s2  }
0x1e: {  	s7 =	smul.u32 @!p0 $0xF7A, s2;
	p2 =	seq.s32 @!p0 s5, $0x0  }
0x1f: {  	s9 =	smul.u32 $0xF7A, s1;
	s8 =	simm.s32 @!p0 $0x1BF5;
	p2 =	por !p2, p0  }
0x20: {  	[sflag:s8] =	ssyncset.s32 @!p0 $0xFFFFF086;
	s6 =	sadd.s32 @!p0 s3, s7;
	s7 =	simm.s32 @!p0 $0x108  }
0x21: {  	s3 =	sadd.s32 s3, s9;
	s6 =	sadd.s32 @!p0 $0x88, s6;
	s7 =	simm.s32 @p2 $0x1082  }
0x22: {  	[simem:s7], [sflag:s8] =	dma.local @!p0 [hbm:s6], $0xF7A  }
0x23: {  	s9 =	sor.u32 $0xD0000000, s2;
	s6 =	simm.s32 $0x108;
	_ =	swait.ge @!p0 [sflag:s8], $0x0  }
0x24: {  	s3 =	sadd.s32 $0x88, s3;
	s6 =	simm.s32 @!p1 $0x1082;
	[sflag:s4] =	ssyncset.s32 $0xFFFFF086  }
0x25: {  	[simem:s6], [sflag:s4] =	dma.local [hbm:s3], $0xF7A  }
0x26: {  	[smem:$0x3F9D] =	sst s1;
	(tag) =	ssettag s2;
	_ =	strace s9  }
0x27: {  	s1 =	sld [smem:$0x3FAD]  }
0x28: {  	s2 =	sld [smem:$0x3FAE]  }
0x29: {  	s4 =	sld [smem:$0x3FB0]  }
0x2a: {  	p0 =	seq.s32 s5, $0x0;
	s5 =	sld [smem:$0x3FB1]  }
0x2b: {  	s6 =	sld [smem:$0x3FB2]  }
0x2c: {  	s7 =	sld [smem:$0x3FB3]  }
0x2d: {  	s3 =	simm.s32 $0x108;
	s8 =	sld [smem:$0x3FB4]  }
0x2e: {  	s3 =	simm.s32 @!p0 $0x1082;
	s9 =	sld [smem:$0x3FB5]  }
0x2f: {  	lr =	sadd.s32 s0, s3;
	s0 =	sld [smem:$0x3FAC]  }
0x30: {  	s3 =	sld [smem:$0x3FAF]  }
0x31: {  	[smem:$0x3FB8] =	sst s10  }
0x32: {  	s10 =	sld [smem:$0x3FB6];
	_ =	sdelay $0x3  }
0x33: {  	p0 =	seq.s32 s10, $0x1;
	s10 =	sld [smem:$0x3FB8];
	_ =	sdelay $0x3  }
0x34: {  	[smem:$0x3FB8] =	sst s10  }
0x35: {  	s10 =	sld [smem:$0x3FB7];
	_ =	sdelay $0x3  }
0x36: {  	p1 =	seq.s32 s10, $0x1;
	s10 =	sld [smem:$0x3FB8];
	_ =	sdelay $0x3  }
0x37: {  	[smem:$0x3FB8] =	sst s10  }
0x38: {  	s10 =	sld [smem:$0x3FB9]  }
0x39: {  	_ = 	snop;
	(pc) =	sbr.ind lr, $3  }
0x3a: {  	_ = 	snop  }
0x3b: {  	_ = 	snop  }
0x3c: {  	p2 =	seq.s32 s10, $0x1;
	s10 =	sld [smem:$0x3FB8]  }
0x3d: {  	_ =	shalt  }
0x3e: {  	_ =	shalt  }
0x3f: {  	_ =	shalt  }
0x40: {  	_ =	shalt  }
0x41: {  	_ =	shalt  }
0x42: {  	_ =	shalt  }
0x43: {  	_ =	shalt  }
0x44: {  	_ =	shalt  }
0x45: {  	_ =	shalt  }
0x46: {  	_ =	shalt  }
0x47: {  	_ =	shalt  }
0x48: {  	_ =	shalt  }
0x49: {  	_ =	shalt  }
0x4a: {  	_ =	shalt  }
0x4b: {  	_ =	shalt  }
0x4c: {  	_ =	shalt  }
0x4d: {  	_ =	shalt  }
0x4e: {  	_ =	shalt  }
0x4f: {  	_ =	shalt  }
0x50: {  	_ =	shalt  }
0x51: {  	_ =	shalt  }
0x52: {  	_ =	shalt  }
0x53: {  	_ =	shalt  }
0x54: {  	_ =	shalt  }
0x55: {  	_ =	shalt  }
0x56: {  	_ =	shalt  }
0x57: {  	_ =	shalt  }
0x58: {  	_ =	shalt  }
0x59: {  	_ =	shalt  }
0x5a: {  	_ =	shalt  }
0x5b: {  	_ =	shalt  }
0x5c: {  	_ =	shalt  }
0x5d: {  	_ =	shalt  }
0x5e: {  	_ =	shalt  }
0x5f: {  	_ =	shalt  }
0x60: {  	_ =	shalt  }
0x61: {  	_ =	shalt  }
0x62: {  	_ =	shalt  }
0x63: {  	_ =	shalt  }
0x64: {  	_ =	shalt  }
0x65: {  	_ =	shalt  }
0x66: {  	_ =	shalt  }
0x67: {  	_ =	shalt  }
0x68: {  	_ =	shalt  }
0x69: {  	_ =	shalt  }
0x6a: {  	_ =	shalt  }
0x6b: {  	_ =	shalt  }
0x6c: {  	_ =	shalt  }
0x6d: {  	_ =	shalt  }
0x6e: {  	_ =	shalt  }
0x6f: {  	_ =	shalt  }
0x70: {  	_ =	shalt  }
0x71: {  	_ =	shalt  }
0x72: {  	_ =	shalt  }
0x73: {  	_ =	shalt  }
0x74: {  	_ =	shalt  }
0x75: {  	_ =	shalt  }
0x76: {  	_ =	shalt  }
0x77: {  	_ =	shalt  }
0x78: {  	_ =	shalt  }
0x79: {  	_ =	shalt  }
0x7a: {  	_ =	shalt  }
0x7b: {  	_ =	shalt  }
0x7c: {  	_ =	shalt  }
0x7d: {  	_ =	shalt  }
0x7e: {  	_ =	shalt  }
0x7f: {  	_ =	shalt  }
0x80: {  	_ =	shalt  }
0x81: {  	_ =	shalt  }
0x82: {  	_ =	shalt  }
0x83: {  	_ =	shalt  }
0x84: {  	_ =	shalt  }
0x85: {  	_ =	shalt  }
0x86: {  	_ =	shalt  }
0x87: {  	_ =	shalt  }
.Lfunc_end0:
.L_simem_size_0:
called_computation_lowered:
.L_overlay_start_0:
0x88: {  	s2 =	sld [smem:$0x3FD9]  }
0x89: {  	s3 =	sld [smem:$0x3FFE];
	_ =	sdelay $0x1  }
0x8a: {  	s1 =	srdreg.scid  }
0x8b: {  	s0 =	sand.u32 $0x1, s1  }
0x8c: {  	s17 =	sshll.u32 s0, $0xA;
	s2 =	sadd.s32 s3, s2  }
0x8d: {  	s2 =	sadd.s32 s2, s17  }
0x8e: {  	[smem:$0x3FC4] =	sst s2  }
0x8f: {  	_ = 	snop  }
0x90: {  	s2 =	sld [smem:$0x3FC6]  }
0x91: {  	s18 =	sld [smem:$0x3FD0];
	(tm) =	ssettm $0x1  }
0x92: {  	s4 =	sld [smem:$0x3FFB];
	_ =	sdelay $0x3  }
0x93: {  	_ =	strace s4  }
0x94: {  	s4 =	sld [smem:$0x3FFC];
	_ =	sdelay $0x3  }
0x95: {  	_ =	strace s4  }
0x96: {  	s4 =	sld [smem:$0x3FFD];
	_ =	sdelay $0x3  }
0x97: {  	_ =	strace s4  }
0x98: {  	_ =	strace $0x8FFFFFFF  }
0x99: {  	s19 =	sld [smem:$0x3FDB];
	_ =	sdelay $0x1  }
0x9a: {  	s5 =	simm.s32 $_scs_section_size  }
0x9b: {  	s6 =	simm.s32 $_size__tile_overlayer_lowered;
	s7 =	simm.s32 $_tile_overlayer_lowered  }
0x9c: {  	s22 =	simm.s32 $0x1BFF;
	s21 =	sshll.u32 s7, $0x1;
	s4 =	sadd.s32 s5, s19  }
0x9d: {  	s8 =	simm.s32 $0x0;
	s20 =	sshll.u32 s6, $0x1;
	s6 =	sadd.s32 s21, s4  }
0x9e: {  	[timem:s8], [sflag:s22] =	dma.local [hbm:s6], s20  }
0x9f: {  	_ =	swait.ge [sflag:s22], s20  }
0xa0: {  	s5 =	ssub.s32 $0x0, s20;
	[sflag:s22] =	ssyncset.done $0x0  }
0xa1: {  	[sflag:s22] =	ssyncadd.s32 s5;
	_ =	sdelay $0x1  }
0xa2: {  	s23 =	simm.s32 $0x1B8B  }
0xa3: {  	_ =	swait.ge [sflag:s23], $0x1  }
0xa4: {  	[sflag:s23] =	ssyncset.done $0x0  }
0xa5: {  	s25 =	simm.s32 $0x1B8E;
	s24 =	sld [smem:$0x3FFE];
	[sflag:s23] =	ssyncadd.s32 $0xFFFFFFFF  }
0xa6: {  	s26 =	simm.s32 $execute0_lowered;
	[smem:$0x3FD2] =	sst s25  }
0xa7: {  	s6 =	sshll.u32 s26, $0x1;
	_ =	strace $0x80000046;
	[dreg:$0x1] =	wrdreg $0xFFFFFFFF  }
0xa8: {  	s28 =	simm.s32 $_size_execute0_lowered;
	s4 =	sadd.s32 s4, s6;
	[dreg:$0x0] =	wrdreg $0x0  }
0xa9: {  	s6 =	sshll.u32 s28, $0x1;
	[dreg:$0x2] =	wrdreg s4  }
0xaa: {  	[dreg:$0x3] =	wrdreg s6  }
0xab: {  	[dreg:$0x4] =	wrdreg $0xC0  }
0xac: {  	_ =	task [dreg:s8], $0x5FFFF  }
0xad: {  	[dreg:$0x1] =	wrdreg $0xFFFFFFFF  }
0xae: {  	[dreg:$0x0] =	wrdreg $0x60  }
0xaf: {  	[dreg:$0x2] =	wrdreg s24  }
0xb0: {  	[dreg:$0x3] =	wrdreg s2  }
0xb1: {  	[dreg:$0x4] =	wrdreg s18  }
0xb2: {  	[dreg:$0x5] =	wrdreg $0x143000  }
0xb3: {  	[dreg:$0x6] =	wrdreg $0x9  }
0xb4: {  	_ =	task.clear_ibuf [dreg:s8], $0x7FFFF;
	_ =	strace $0x90000046  }
0xb5: {  	s29 =	simm.s32 $0x9;
	_ =	strace $0x80000048  }
0xb6: {  	_ =	swait.ge [sflag:s29], $0x1  }
0xb7: {  	[sflag:s29] =	ssyncadd.s32 $0xFFFFFFFF  }
0xb8: {  	_ =	strace $0x90000048  }
0xb9: {  	_ =	sfence  }
0xba: {  	s30 =	sld [smem:$0x0];
	_ =	sdelay $0x2  }
0xbb: {  	s31 =	sshll.u32 s1, $0xD;
	s1 =	sshrl.u32 s1, $0x2  }
0xbc: {  	s3 =	sand.u32 $0x4000, s31;
	s1 =	sadd.s32 s1, s30  }
0xbd: {  	s0 =	sor.u32 s3, s0;
	s1 =	sshll.u32 s1, $0x11  }
0xbe: {  	s0 =	sor.u32 s1, s0  }
0xbf: {  	s0 =	sadd.s32 $0x8F2B, s0  }
0xc0: {  	[sflag:s0] =	ssyncadd.remote.s32 $0x1  }
0xc1: {  	_ =	sfence.sel $0xFFFF  }
0xc2: {  	[dreg:$0x0] =	wrdreg $0xFFFFFFFF;
	(pc) =	sbr.abs _section_cstart, $3  }
0xc3: {  	[dreg:$0x1] =	wrdreg $0xFFFFFFFF  }
0xc4: {  	_ =	task.clear_ibuf [dreg:s8], $0x2FFFF;
	_ =	strace $0x9FFFFFFF  }
0xc5: {  	(tm) =	ssettm $0x7FFFFFFF  }
tec
execute0_lowered:
.L_overlay_start_1:
0x0: {  	(tag) =	ssettag $0x1  }
0x1: {  	s0 =	rddreg [dreg:$0x0];
	s11 =	stileid.u32  }
0x2: {  	s1 =	rddreg [dreg:$0x2];
	s2 =	smul.u32 $0x4E20, s11  }
0x3: {  	s3 =	rddreg [dreg:$0x3];
	s4 =	simm.s32 $0x0;
	s5 =	srdreg.scid  }
0x4: {  	[smem:$0x7FF] =	sst s4;
	s10 =	smul.u32 $0x27100, s11;
	s2 =	sshrl.u32 s2, $0x3  }
0x5: {  	s7 =	sand.u32 $0x1, s5;
	_ =	strace $0x80000047;
	s2 =	sadd.s32 s2, s0  }
0x6: {  	s8 =	ssub.s32 $0x2, s7;
	s10 =	sshrl.u32 s10, $0x2;
	s30 =	sadd.s32 $0x28000, s2  }
0x7: {  	s10 =	sadd.s32 s10, s3;
	s2 =	sadd.s32 $0x31C40, s2;
	[dreg:$0x5] =	wrdreg s30  }
0x8: {  	s9 =	sshrl.u32 s8, $0x1;
	s31 =	sadd.s32 $0x640, s10;
	[dreg:$0x6] =	wrdreg s2  }
0x9: {  	s26 =	ssub.s32 s8, s9;
	s8 =	sadd.s32 $0xC80, s10;
	[dreg:$0x7] =	wrdreg s31  }
0xa: {  	s13 =	sadd.s32 $0x12C0, s10;
	[dreg:$0x8] =	wrdreg s8  }
0xb: {  	s14 =	sadd.s32 $0x1900, s10;
	[dreg:$0x9] =	wrdreg s13  }
0xc: {  	s15 =	sadd.s32 $0x1F40, s10;
	[dreg:$0xa] =	wrdreg s14  }
0xd: {  	s16 =	sadd.s32 $0x2580, s10;
	[dreg:$0xb] =	wrdreg s15  }
0xe: {  	s17 =	sadd.s32 $0x2BC0, s10;
	[dreg:$0xc] =	wrdreg s16  }
0xf: {  	s18 =	sadd.s32 $0x3200, s10;
	[dreg:$0xd] =	wrdreg s17  }
0x10: {  	s28 =	simm.s32 $0x0;
	s19 =	sadd.s32 $0x3840, s10;
	[dreg:$0xe] =	wrdreg s18  }
0x11: {  	s5 =	sadd.s32 $0x14600, s0;
	s20 =	sadd.s32 $0x3E80, s10;
	[dreg:$0xf] =	wrdreg s19  }
0x12: {  	s6 =	sadd.s32 $0xC00, s0;
	s21 =	sadd.s32 $0x44C0, s10;
	[dreg:$0x10] =	wrdreg s20  }
0x13: {  	s12 =	smul.u32 $0x13880, s11;
	s22 =	sadd.s32 $0x4B00, s10;
	[dreg:$0x11] =	wrdreg s21  }
0x14: {  	s29 =	sxor.u32 $0x1, s7;
	s23 =	sadd.s32 $0x5140, s10;
	[dreg:$0x13] =	wrdreg s22  }
0x15: {  	p0 =	seq.s32 s7, $0x0;
	s0 =	smax.u32 s26, $0x1;
	[dreg:$0x14] =	wrdreg s23  }
0x16: {  	s9 =	sshll.u32 s29, $0x6;
	s24 =	sadd.s32 $0x5780, s10;
	[dreg:$0x15] =	wrdreg s0  }
0x17: {  	s25 =	sadd.s32 $0x5DC0, s10;
	s26 =	sadd.s32 $0x6400, s10;
	[dreg:$0x16] =	wrdreg s24  }
0x18: {  	s29 =	sadd.s32 $0x6A40, s10;
	s7 =	sadd.s32 $0x8980, s10;
	[dreg:$0x17] =	wrdreg s25  }
0x19: {  	s11 =	sadd.s32 $0x9600, s10;
	s2 =	sor.u32 s12, s9;
	[dreg:$0x18] =	wrdreg s26  }
0x1a: {  	[dreg:$0x19] =	wrdreg s29;
	s30 =	sadd.s32 $0x7080, s10;
	s31 =	sadd.s32 $0x76C0, s10  }
0x1b: {  	s8 =	sadd.s32 $0x8FC0, s10;
	s12 =	simm.s32 $0x9;
	s13 =	simm.s32 $0x13CC0  }
0x1c: {  	s14 =	simm.s32 $0xA0;
	s15 =	simm.s32 $0x9CC0;
	s16 =	simm.s32 $0xC4C0  }
0x1d: {  	s17 =	simm.s32 $0xECC0;
	s18 =	simm.s32 $0x114C0;
	s19 =	simm.s32 $0x1  }
.Ltmp0:
0x1e: {  	s20 =	simm.s32 $0x2;
	s21 =	simm.s32 $0x3;
	(pc) =	sbr.rel .LBB2_1-.Ltmp0, $4  }
0x1f: {  	s22 =	simm.s32 $0x4;
	s23 =	simm.s32 $0x5;
	s24 =	simm.s32 $0x6  }
0x20: {  	s25 =	simm.s32 $0x7;
	s2 =	sshrl.u32 s2, $0x3;
	[dreg:$0x1a] =	wrdreg s30  }
0x21: {  	s26 =	simm.s32 $0x8;
	[dreg:$0x1b] =	wrdreg s31;
	s1 =	sadd.s32 s1, s2  }
0x22: {  	s2 =	sadd.s32 $0x7D00, s10;
	[dreg:$0x12] =	wrdreg s1;
	s1 =	sadd.s32 $0x8340, s10  }
.LBB2_6:
0x23: {  	[tilespmem:s18], [sflag:$0x4] =	stream.indirect.gather [hbm4b:s5+s14], $0x40, s30, s14, $0xb8;
	[tilespmem:$0x1DF40] =	vst v63  }
0x24: {  	_ =	swait.ge [sflag:s19], $0x2800  }
0x25: {  	[sflag:s19] =	ssyncset.done $0x0  }
0x26: {  	s29 =	simm.s32 $0x9920;
	[sflag:s19] =	ssyncadd.s32 $0xFFFFD800  }
0x27: {  	[spmem:s3] =	stream.indirect.scatter.add.f32 [tilespmem:s15], [sflag:$0x5], $0x40, s29, s14, $0xb8;
	[tilespmem:$0x1DF40] =	vst v63  }
0x28: {  	_ =	swait.ge [sflag:s20], $0x2800  }
0x29: {  	[sflag:s20] =	ssyncset.done $0x0  }
0x2a: {  	s31 =	simm.s32 $0x99C0;
	[sflag:s20] =	ssyncadd.s32 $0xFFFFD800  }
0x2b: {  	[spmem:s3] =	stream.indirect.scatter.add.f32 [tilespmem:s16], [sflag:$0x6], $0x40, s31, s14, $0xb8;
	[tilespmem:$0x1DF40] =	vst v63  }
0x2c: {  	_ =	swait.ge [sflag:s21], $0x2800  }
0x2d: {  	[sflag:s21] =	ssyncset.done $0x0  }
0x2e: {  	s0 =	simm.s32 $0x9A60;
	[sflag:s21] =	ssyncadd.s32 $0xFFFFD800  }
0x2f: {  	[spmem:s3] =	stream.indirect.scatter.add.f32 [tilespmem:s17], [sflag:$0x7], $0x40, s0, s14, $0xb8;
	[tilespmem:$0x1DF40] =	vst v63  }
0x30: {  	_ =	swait.ge [sflag:s22], $0x2800  }
0x31: {  	[sflag:s22] =	ssyncset.done $0x0  }
0x32: {  	s30 =	simm.s32 $0x9B00;
	[sflag:s22] =	ssyncadd.s32 $0xFFFFD800  }
0x33: {  	[spmem:s3] =	stream.indirect.scatter.add.f32 [tilespmem:s18], [sflag:$0x8], $0x40, s30, s14, $0xb8;
	[tilespmem:$0x1DF40] =	vst v63  }
0x34: {  	_ =	swait.ge [sflag:s23], $0x2800  }
0x35: {  	[sflag:s23] =	ssyncset.done $0x0  }
0x36: {  	s31 =	simm.s32 $0x4D80;
	[sflag:s23] =	ssyncadd.s32 $0xFFFFD800  }
0x37: {  	[tilespmem:s15], [sflag:$0x1] =	stream.indirect.gather [hbm4b:s5+s14], $0x40, s31, s14, $0xb8;
	[tilespmem:$0x1DF40] =	vst v63  }
.LBB2_10:
0x38: {  	_ =	swait.ge [sflag:s24], $0x2800  }
0x39: {  	[sflag:s24] =	ssyncset.done $0x0  }
0x3a: {  	[sflag:s24] =	ssyncadd.s32 $0xFFFFD800  }
0x3b: {  	_ =	swait.ge [sflag:s25], $0x2800  }
0x3c: {  	[sflag:s25] =	ssyncset.done $0x0  }
0x3d: {  	[sflag:s25] =	ssyncadd.s32 $0xFFFFD800  }
0x3e: {  	_ =	swait.ge [sflag:s26], $0x2800  }
0x3f: {  	[sflag:s26] =	ssyncset.done $0x0  }
0x40: {  	[sflag:s26] =	ssyncadd.s32 $0xFFFFD800  }
0x41: {  	_ =	swait.ge [sflag:s19], $0x2800  }
0x42: {  	[sflag:s19] =	ssyncset.done $0x0  }
0x43: {  	s29 =	simm.s32 $0x9BA0;
	[sflag:s19] =	ssyncadd.s32 $0xFFFFD800  }
0x44: {  	[spmem:s3] =	stream.indirect.scatter.add.f32 [tilespmem:s15], [sflag:$0x5], $0x40, s29, s14, $0xb8;
	[tilespmem:$0x1DF40] =	vst v63  }
0x45: {  	_ =	swait.ge [sflag:s23], $0x2800  }
0x46: {  	[sflag:s23] =	ssyncset.done $0x0  }
0x47: {  	s30 =	stileid.u32;
	[sflag:s23] =	ssyncadd.s32 $0xFFFFD800  }
0x48: {  	s0 =	simm.s32 $0x10;
	s29 =	sshll.u32 s30, $0x6;
	[bflag:$0x0] =	sbarrier.arrive $0xFFFF  }
0x49: {  	s30 =	sshrl.u32 s10, $0x3;
	s29 =	sor.u32 $0x1C09, s29;
	s31 =	rddreg [dreg:$0x12]  }
0x4a: {  	[hbm:s31@s0], [sflag:s29] =	dma.strided [spmem:s30@s26], $0x1388, s19, $0x8   }
0x4b: {  	_ =	swait.ge [sflag:s12], $0x1388  }
0x4c: {  	s28 =	sadd.s32 $0x1, s28;
	s31 =	rddreg [dreg:$0x15]  }
0x4d: {  	p1 =	sne.s32 s28, s31  }
.Ltmp1:
0x4e: {  	_ = 	snop;
	(pc) =	sbr.rel @!p1 .LBB2_11-.Ltmp1, $3  }
0x4f: {  	_ =	sdelay $0x1  }
0x50: {  	[sflag:s12] =	ssyncset.done $0x0  }
0x51: {  	[sflag:s12] =	ssyncadd.s32 $0xFFFFEC78  }
.LBB2_1:
0x52: {  	s29 =	rddreg [dreg:$0x5];
	s30 =	simm.s32 $0x4E20  }
0x53: {  	[tilespmem:s30], [sflag:$0x9] =	stream.linear.gather [hbm4b:s29+s4], $0x4E20, $0x38;
	[tilespmem:$0x1DF40] =	vst v63  }
0x54: {  	_ =	swait.ge [sflag:s12], $0x4E20  }
0x55: {  	[sflag:s12] =	ssyncset.done $0x0  }
0x56: {  	s29 =	rddreg [dreg:$0x6];
	[sflag:s12] =	ssyncadd.s32 $0xFFFFB1E0  }
0x57: {  	[tilespmem:s4], [sflag:$0x9] =	stream.linear.gather [hbm4b:s29+s4], $0x4E20, $0x38;
	[tilespmem:$0x1DF40] =	vst v63  }
0x58: {  	_ =	swait.ge [sflag:s12], $0x4E20  }
0x59: {  	[sflag:s12] =	ssyncset.done $0x0  }
0x5a: {  	[sflag:s12] =	ssyncadd.s32 $0xFFFFB1E0  }
0x5b: {  	s30 =	simm.s32 $0x9C40;
	s29 =	rddreg [dreg:$0x1]  }
0x5c: {  	[tilespmem:s30], [sflag:$0x9] =	stream.linear.gather [hbm4b:s29+s4], $0x80, $0x38;
	[tilespmem:$0x1DF40] =	vst v63  }
0x5d: {  	_ =	swait.ge [sflag:s12], $0x80  }
0x5e: {  	[sflag:s12] =	ssyncset.done $0x0  }
0x5f: {  	[sflag:s12] =	ssyncadd.s32 $0xFFFFFF80  }
0x60: {  	s29 =	simm.s32 $0x100;
	s30 =	simm.s32 $0x0;
	v0 =	vld [tilespmem:s9+$0x9C40]  }
.LBB2_2:
0x61: {  	p1 =	sne.s32 s29, $0x1800;
	_ =	sdelay $0x2  }
0x62: {  	s31 =	sshra.s32 s30, $0x2;
	s30 =	smov.u32 s29  }
0x63: {  	[tilespmem:s31+$0x13CC0] =	vst v0  }
0x64: {  	v0 =	vld [tilespmem:s9+$0x9C50];
	_ =	sdelay $0x4  }
0x65: {  	[tilespmem:s31+$0x13CD0] =	vst v0  }
0x66: {  	v0 =	vld [tilespmem:s9+$0x9C60];
	_ =	sdelay $0x4  }
0x67: {  	[tilespmem:s31+$0x13CE0] =	vst v0  }
0x68: {  	v0 =	vld [tilespmem:s9+$0x9C70];
	_ =	sdelay $0x1  }
.Ltmp2:
0x69: {  	(pc) =	sbr.rel @p1 .LBB2_2-.Ltmp2, $3  }
0x6a: {  	_ =	sdelay $0x1  }
0x6b: {  	[tilespmem:s31+$0x13CF0] =	vst v0  }
0x6c: {  	s29 =	sadd.s32 $0x100, s29;
	v0 =	vld [tilespmem:s9+$0x9C40]  }
0x6d: {  	_ =	sdelay $0x2  }
0x6e: {  	s29 =	sshra.s32 s30, $0x2  }
0x6f: {  	[tilespmem:s29+$0x13CC0] =	vst v0  }
0x70: {  	v0 =	vld [tilespmem:s9+$0x9C50];
	_ =	sdelay $0x4  }
0x71: {  	[tilespmem:s29+$0x13CD0] =	vst v0  }
0x72: {  	v0 =	vld [tilespmem:s9+$0x9C60];
	_ =	sdelay $0x4  }
0x73: {  	[tilespmem:s29+$0x13CE0] =	vst v0  }
0x74: {  	v0 =	vld [tilespmem:s9+$0x9C70];
	_ =	sdelay $0x4  }
0x75: {  	[tilespmem:s29+$0x13CF0] =	vst v0  }
0x76: {  	[spmem:s10] =	stream.linear.scatter [tilespmem:s13], [sflag:$0x9], $0x640, $0x38;
	[tilespmem:$0x1DF40] =	vst v63  }
0x77: {  	_ =	swait.ge [sflag:s12], $0x640  }
0x78: {  	[sflag:s12] =	ssyncset.done $0x0  }
0x79: {  	s29 =	rddreg [dreg:$0x7];
	[sflag:s12] =	ssyncadd.s32 $0xFFFFF9C0  }
0x7a: {  	[spmem:s29] =	stream.linear.scatter [tilespmem:s13], [sflag:$0x9], $0x640, $0x38;
	[tilespmem:$0x1DF40] =	vst v63  }
0x7b: {  	_ =	swait.ge [sflag:s12], $0x640  }
0x7c: {  	[sflag:s12] =	ssyncset.done $0x0  }
0x7d: {  	s29 =	rddreg [dreg:$0x8];
	[sflag:s12] =	ssyncadd.s32 $0xFFFFF9C0  }
0x7e: {  	[spmem:s29] =	stream.linear.scatter [tilespmem:s13], [sflag:$0x9], $0x640, $0x38;
	[tilespmem:$0x1DF40] =	vst v63  }
0x7f: {  	_ =	swait.ge [sflag:s12], $0x640  }
0x80: {  	[sflag:s12] =	ssyncset.done $0x0  }
0x81: {  	s29 =	rddreg [dreg:$0x9];
	[sflag:s12] =	ssyncadd.s32 $0xFFFFF9C0  }
0x82: {  	[spmem:s29] =	stream.linear.scatter [tilespmem:s13], [sflag:$0x9], $0x640, $0x38;
	[tilespmem:$0x1DF40] =	vst v63  }
0x83: {  	_ =	swait.ge [sflag:s12], $0x640  }
0x84: {  	[sflag:s12] =	ssyncset.done $0x0  }
0x85: {  	s29 =	rddreg [dreg:$0xa];
	[sflag:s12] =	ssyncadd.s32 $0xFFFFF9C0  }
0x86: {  	[spmem:s29] =	stream.linear.scatter [tilespmem:s13], [sflag:$0x9], $0x640, $0x38;
	[tilespmem:$0x1DF40] =	vst v63  }
0x87: {  	_ =	swait.ge [sflag:s12], $0x640  }
0x88: {  	[sflag:s12] =	ssyncset.done $0x0  }
0x89: {  	s29 =	rddreg [dreg:$0xb];
	[sflag:s12] =	ssyncadd.s32 $0xFFFFF9C0  }
0x8a: {  	[spmem:s29] =	stream.linear.scatter [tilespmem:s13], [sflag:$0x9], $0x640, $0x38;
	[tilespmem:$0x1DF40] =	vst v63  }
0x8b: {  	_ =	swait.ge [sflag:s12], $0x640  }
0x8c: {  	[sflag:s12] =	ssyncset.done $0x0  }
0x8d: {  	s29 =	rddreg [dreg:$0xc];
	[sflag:s12] =	ssyncadd.s32 $0xFFFFF9C0  }
0x8e: {  	[spmem:s29] =	stream.linear.scatter [tilespmem:s13], [sflag:$0x9], $0x640, $0x38;
	[tilespmem:$0x1DF40] =	vst v63  }
0x8f: {  	_ =	swait.ge [sflag:s12], $0x640  }
0x90: {  	[sflag:s12] =	ssyncset.done $0x0  }
0x91: {  	s29 =	rddreg [dreg:$0xd];
	[sflag:s12] =	ssyncadd.s32 $0xFFFFF9C0  }
0x92: {  	[spmem:s29] =	stream.linear.scatter [tilespmem:s13], [sflag:$0x9], $0x640, $0x38;
	[tilespmem:$0x1DF40] =	vst v63  }
0x93: {  	_ =	swait.ge [sflag:s12], $0x640  }
0x94: {  	[sflag:s12] =	ssyncset.done $0x0  }
0x95: {  	s29 =	rddreg [dreg:$0xe];
	[sflag:s12] =	ssyncadd.s32 $0xFFFFF9C0  }
0x96: {  	[spmem:s29] =	stream.linear.scatter [tilespmem:s13], [sflag:$0x9], $0x640, $0x38;
	[tilespmem:$0x1DF40] =	vst v63  }
0x97: {  	_ =	swait.ge [sflag:s12], $0x640  }
0x98: {  	[sflag:s12] =	ssyncset.done $0x0  }
0x99: {  	s29 =	rddreg [dreg:$0xf];
	[sflag:s12] =	ssyncadd.s32 $0xFFFFF9C0  }
0x9a: {  	[spmem:s29] =	stream.linear.scatter [tilespmem:s13], [sflag:$0x9], $0x640, $0x38;
	[tilespmem:$0x1DF40] =	vst v63  }
0x9b: {  	_ =	swait.ge [sflag:s12], $0x640  }
0x9c: {  	[sflag:s12] =	ssyncset.done $0x0  }
0x9d: {  	s29 =	rddreg [dreg:$0x10];
	[sflag:s12] =	ssyncadd.s32 $0xFFFFF9C0  }
0x9e: {  	[spmem:s29] =	stream.linear.scatter [tilespmem:s13], [sflag:$0x9], $0x640, $0x38;
	[tilespmem:$0x1DF40] =	vst v63  }
0x9f: {  	_ =	swait.ge [sflag:s12], $0x640  }
0xa0: {  	[sflag:s12] =	ssyncset.done $0x0  }
0xa1: {  	s29 =	rddreg [dreg:$0x11];
	[sflag:s12] =	ssyncadd.s32 $0xFFFFF9C0  }
0xa2: {  	[spmem:s29] =	stream.linear.scatter [tilespmem:s13], [sflag:$0x9], $0x640, $0x38;
	[tilespmem:$0x1DF40] =	vst v63  }
0xa3: {  	_ =	swait.ge [sflag:s12], $0x640  }
0xa4: {  	[sflag:s12] =	ssyncset.done $0x0  }
0xa5: {  	s29 =	rddreg [dreg:$0x13];
	[sflag:s12] =	ssyncadd.s32 $0xFFFFF9C0  }
0xa6: {  	[spmem:s29] =	stream.linear.scatter [tilespmem:s13], [sflag:$0x9], $0x640, $0x38;
	[tilespmem:$0x1DF40] =	vst v63  }
0xa7: {  	_ =	swait.ge [sflag:s12], $0x640  }
0xa8: {  	[sflag:s12] =	ssyncset.done $0x0  }
0xa9: {  	s29 =	rddreg [dreg:$0x14];
	[sflag:s12] =	ssyncadd.s32 $0xFFFFF9C0  }
0xaa: {  	[spmem:s29] =	stream.linear.scatter [tilespmem:s13], [sflag:$0x9], $0x640, $0x38;
	[tilespmem:$0x1DF40] =	vst v63  }
0xab: {  	_ =	swait.ge [sflag:s12], $0x640  }
0xac: {  	[sflag:s12] =	ssyncset.done $0x0  }
0xad: {  	s29 =	rddreg [dreg:$0x16];
	[sflag:s12] =	ssyncadd.s32 $0xFFFFF9C0  }
0xae: {  	[spmem:s29] =	stream.linear.scatter [tilespmem:s13], [sflag:$0x9], $0x640, $0x38;
	[tilespmem:$0x1DF40] =	vst v63  }
0xaf: {  	_ =	swait.ge [sflag:s12], $0x640  }
0xb0: {  	[sflag:s12] =	ssyncset.done $0x0  }
0xb1: {  	s29 =	rddreg [dreg:$0x17];
	[sflag:s12] =	ssyncadd.s32 $0xFFFFF9C0  }
0xb2: {  	[spmem:s29] =	stream.linear.scatter [tilespmem:s13], [sflag:$0x9], $0x640, $0x38;
	[tilespmem:$0x1DF40] =	vst v63  }
0xb3: {  	_ =	swait.ge [sflag:s12], $0x640  }
0xb4: {  	[sflag:s12] =	ssyncset.done $0x0  }
0xb5: {  	s29 =	rddreg [dreg:$0x18];
	[sflag:s12] =	ssyncadd.s32 $0xFFFFF9C0  }
0xb6: {  	[spmem:s29] =	stream.linear.scatter [tilespmem:s13], [sflag:$0x9], $0x640, $0x38;
	[tilespmem:$0x1DF40] =	vst v63  }
0xb7: {  	_ =	swait.ge [sflag:s12], $0x640  }
0xb8: {  	[sflag:s12] =	ssyncset.done $0x0  }
0xb9: {  	s29 =	rddreg [dreg:$0x19];
	[sflag:s12] =	ssyncadd.s32 $0xFFFFF9C0  }
0xba: {  	[spmem:s29] =	stream.linear.scatter [tilespmem:s13], [sflag:$0x9], $0x640, $0x38;
	[tilespmem:$0x1DF40] =	vst v63  }
0xbb: {  	_ =	swait.ge [sflag:s12], $0x640  }
0xbc: {  	[sflag:s12] =	ssyncset.done $0x0  }
0xbd: {  	s29 =	rddreg [dreg:$0x1a];
	[sflag:s12] =	ssyncadd.s32 $0xFFFFF9C0  }
0xbe: {  	[spmem:s29] =	stream.linear.scatter [tilespmem:s13], [sflag:$0x9], $0x640, $0x38;
	[tilespmem:$0x1DF40] =	vst v63  }
0xbf: {  	_ =	swait.ge [sflag:s12], $0x640  }
0xc0: {  	[sflag:s12] =	ssyncset.done $0x0  }
0xc1: {  	s0 =	rddreg [dreg:$0x1b];
	[sflag:s12] =	ssyncadd.s32 $0xFFFFF9C0  }
0xc2: {  	[spmem:s0] =	stream.linear.scatter [tilespmem:s13], [sflag:$0x9], $0x640, $0x38;
	[tilespmem:$0x1DF40] =	vst v63  }
0xc3: {  	_ =	swait.ge [sflag:s12], $0x640  }
0xc4: {  	[sflag:s12] =	ssyncset.done $0x0  }
0xc5: {  	[sflag:s12] =	ssyncadd.s32 $0xFFFFF9C0  }
0xc6: {  	[spmem:s2] =	stream.linear.scatter [tilespmem:s13], [sflag:$0x9], $0x640, $0x38;
	[tilespmem:$0x1DF40] =	vst v63  }
0xc7: {  	_ =	swait.ge [sflag:s12], $0x640  }
0xc8: {  	[sflag:s12] =	ssyncset.done $0x0  }
0xc9: {  	[sflag:s12] =	ssyncadd.s32 $0xFFFFF9C0  }
0xca: {  	[spmem:s1] =	stream.linear.scatter [tilespmem:s13], [sflag:$0x9], $0x640, $0x38;
	[tilespmem:$0x1DF40] =	vst v63  }
0xcb: {  	_ =	swait.ge [sflag:s12], $0x640  }
0xcc: {  	[sflag:s12] =	ssyncset.done $0x0  }
0xcd: {  	[sflag:s12] =	ssyncadd.s32 $0xFFFFF9C0  }
0xce: {  	[spmem:s7] =	stream.linear.scatter [tilespmem:s13], [sflag:$0x9], $0x640, $0x38;
	[tilespmem:$0x1DF40] =	vst v63  }
0xcf: {  	_ =	swait.ge [sflag:s12], $0x640  }
0xd0: {  	[sflag:s12] =	ssyncset.done $0x0  }
0xd1: {  	[sflag:s12] =	ssyncadd.s32 $0xFFFFF9C0  }
0xd2: {  	[spmem:s8] =	stream.linear.scatter [tilespmem:s13], [sflag:$0x9], $0x640, $0x38;
	[tilespmem:$0x1DF40] =	vst v63  }
0xd3: {  	_ =	swait.ge [sflag:s12], $0x640  }
0xd4: {  	[sflag:s12] =	ssyncset.done $0x0  }
0xd5: {  	[sflag:s12] =	ssyncadd.s32 $0xFFFFF9C0  }
0xd6: {  	[spmem:s11] =	stream.linear.scatter [tilespmem:s13], [sflag:$0x9], $0x640, $0x38;
	[tilespmem:$0x1DF40] =	vst v63  }
.Ltmp3:
0xd7: {  	_ =	swait.ge [sflag:s12], $0x640;
	(pc) =	sbr.rel @!p0 .LBB2_4-.Ltmp3, $4  }
0xd8: {  	[sflag:s12] =	ssyncset.done $0x0  }
0xd9: {  	[sflag:s12] =	ssyncadd.s32 $0xFFFFF9C0  }
0xda: {  	[bflag:$0x0] =	sbarrier.arrive $0xFFFF  }
0xdb: {  	s29 =	simm.s32 $0x0  }
0xdc: {  	[tilespmem:s15], [sflag:$0x1] =	stream.indirect.gather [hbm4b:s6+s14], $0x40, s29, s14, $0xb8;
	[tilespmem:$0x1DF40] =	vst v63  }
0xdd: {  	_ = 	snop  }
0xde: {  	[tilespmem:s16], [sflag:$0x2] =	stream.indirect.gather [hbm4b:s6+s14], $0x40, s14, s14, $0xb8;
	[tilespmem:$0x1DF40] =	vst v63  }
0xdf: {  	s29 =	simm.s32 $0x140  }
0xe0: {  	[tilespmem:s17], [sflag:$0x3] =	stream.indirect.gather [hbm4b:s6+s14], $0x40, s29, s14, $0xb8;
	[tilespmem:$0x1DF40] =	vst v63  }
0xe1: {  	s29 =	simm.s32 $0x1E0  }
0xe2: {  	[tilespmem:s18], [sflag:$0x4] =	stream.indirect.gather [hbm4b:s6+s14], $0x40, s29, s14, $0xb8;
	[tilespmem:$0x1DF40] =	vst v63  }
0xe3: {  	_ =	swait.ge [sflag:s19], $0x2800  }
0xe4: {  	[sflag:s19] =	ssyncset.done $0x0  }
0xe5: {  	s29 =	simm.s32 $0x4E20;
	[sflag:s19] =	ssyncadd.s32 $0xFFFFD800  }
0xe6: {  	[spmem:s3] =	stream.indirect.scatter.add.f32 [tilespmem:s15], [sflag:$0x5], $0x40, s29, s14, $0xb8;
	[tilespmem:$0x1DF40] =	vst v63  }
0xe7: {  	_ =	swait.ge [sflag:s20], $0x2800  }
0xe8: {  	[sflag:s20] =	ssyncset.done $0x0  }
0xe9: {  	s29 =	simm.s32 $0x4EC0;
	[sflag:s20] =	ssyncadd.s32 $0xFFFFD800  }
0xea: {  	[spmem:s3] =	stream.indirect.scatter.add.f32 [tilespmem:s16], [sflag:$0x6], $0x40, s29, s14, $0xb8;
	[tilespmem:$0x1DF40] =	vst v63  }
0xeb: {  	_ =	swait.ge [sflag:s21], $0x2800  }
0xec: {  	[sflag:s21] =	ssyncset.done $0x0  }
0xed: {  	s29 =	simm.s32 $0x4F60;
	[sflag:s21] =	ssyncadd.s32 $0xFFFFD800  }
0xee: {  	[spmem:s3] =	stream.indirect.scatter.add.f32 [tilespmem:s17], [sflag:$0x7], $0x40, s29, s14, $0xb8;
	[tilespmem:$0x1DF40] =	vst v63  }
0xef: {  	_ =	swait.ge [sflag:s22], $0x2800  }
0xf0: {  	[sflag:s22] =	ssyncset.done $0x0  }
0xf1: {  	s29 =	simm.s32 $0x5000;
	[sflag:s22] =	ssyncadd.s32 $0xFFFFD800  }
0xf2: {  	[spmem:s3] =	stream.indirect.scatter.add.f32 [tilespmem:s18], [sflag:$0x8], $0x40, s29, s14, $0xb8;
	[tilespmem:$0x1DF40] =	vst v63  }
0xf3: {  	_ =	swait.ge [sflag:s23], $0x2800  }
0xf4: {  	[sflag:s23] =	ssyncset.done $0x0  }
0xf5: {  	s29 =	simm.s32 $0x280;
	[sflag:s23] =	ssyncadd.s32 $0xFFFFD800  }
0xf6: {  	[tilespmem:s15], [sflag:$0x1] =	stream.indirect.gather [hbm4b:s6+s14], $0x40, s29, s14, $0xb8;
	[tilespmem:$0x1DF40] =	vst v63  }
0xf7: {  	_ =	swait.ge [sflag:s24], $0x2800  }
0xf8: {  	[sflag:s24] =	ssyncset.done $0x0  }
0xf9: {  	s29 =	simm.s32 $0x320;
	[sflag:s24] =	ssyncadd.s32 $0xFFFFD800  }
0xfa: {  	[tilespmem:s16], [sflag:$0x2] =	stream.indirect.gather [hbm4b:s6+s14], $0x40, s29, s14, $0xb8;
	[tilespmem:$0x1DF40] =	vst v63  }
0xfb: {  	_ =	swait.ge [sflag:s25], $0x2800  }
0xfc: {  	[sflag:s25] =	ssyncset.done $0x0  }
0xfd: {  	s29 =	simm.s32 $0x3C0;
	[sflag:s25] =	ssyncadd.s32 $0xFFFFD800  }
0xfe: {  	[tilespmem:s17], [sflag:$0x3] =	stream.indirect.gather [hbm4b:s6+s14], $0x40, s29, s14, $0xb8;
	[tilespmem:$0x1DF40] =	vst v63  }
0xff: {  	_ =	swait.ge [sflag:s26], $0x2800  }
0x100: {  	[sflag:s26] =	ssyncset.done $0x0  }
0x101: {  	s30 =	simm.s32 $0x460;
	s29 =	simm.s32 $0xA00;
	[sflag:s26] =	ssyncadd.s32 $0xFFFFD800  }
.LBB2_8:
0x102: {  	[tilespmem:s18], [sflag:$0x4] =	stream.indirect.gather [hbm4b:s6+s14], $0x40, s30, s14, $0xb8;
	[tilespmem:$0x1DF40] =	vst v63  }
0x103: {  	s30 =	smov.u32 s29  }
0x104: {  	p1 =	sne.s32 s29, $0x12200;
	s29 =	sadd.s32 $0xA00, s29;
	_ =	swait.ge [sflag:s19], $0x2800  }
0x105: {  	s30 =	sshra.s32 s30, $0x2;
	[sflag:s19] =	ssyncset.done $0x0  }
0x106: {  	s31 =	sadd.s32 $0x4E20, s30;
	[sflag:s19] =	ssyncadd.s32 $0xFFFFD800  }
0x107: {  	[spmem:s3] =	stream.indirect.scatter.add.f32 [tilespmem:s15], [sflag:$0x5], $0x40, s31, s14, $0xb8;
	[tilespmem:$0x1DF40] =	vst v63  }
0x108: {  	_ =	swait.ge [sflag:s20], $0x2800  }
0x109: {  	[sflag:s20] =	ssyncset.done $0x0  }
0x10a: {  	s31 =	sadd.s32 $0x4EC0, s30;
	[sflag:s20] =	ssyncadd.s32 $0xFFFFD800  }
0x10b: {  	[spmem:s3] =	stream.indirect.scatter.add.f32 [tilespmem:s16], [sflag:$0x6], $0x40, s31, s14, $0xb8;
	[tilespmem:$0x1DF40] =	vst v63  }
0x10c: {  	_ =	swait.ge [sflag:s21], $0x2800  }
0x10d: {  	[sflag:s21] =	ssyncset.done $0x0  }
0x10e: {  	s31 =	sadd.s32 $0x4F60, s30;
	[sflag:s21] =	ssyncadd.s32 $0xFFFFD800  }
0x10f: {  	[spmem:s3] =	stream.indirect.scatter.add.f32 [tilespmem:s17], [sflag:$0x7], $0x40, s31, s14, $0xb8;
	[tilespmem:$0x1DF40] =	vst v63  }
0x110: {  	_ =	swait.ge [sflag:s22], $0x2800  }
0x111: {  	[sflag:s22] =	ssyncset.done $0x0  }
0x112: {  	s31 =	sadd.s32 $0x5000, s30;
	[sflag:s22] =	ssyncadd.s32 $0xFFFFD800  }
0x113: {  	[spmem:s3] =	stream.indirect.scatter.add.f32 [tilespmem:s18], [sflag:$0x8], $0x40, s31, s14, $0xb8;
	[tilespmem:$0x1DF40] =	vst v63  }
0x114: {  	_ =	swait.ge [sflag:s23], $0x2800  }
0x115: {  	[sflag:s23] =	ssyncset.done $0x0  }
0x116: {  	s31 =	sadd.s32 $0x280, s30;
	[sflag:s23] =	ssyncadd.s32 $0xFFFFD800  }
0x117: {  	[tilespmem:s15], [sflag:$0x1] =	stream.indirect.gather [hbm4b:s6+s14], $0x40, s31, s14, $0xb8;
	[tilespmem:$0x1DF40] =	vst v63  }
0x118: {  	_ =	swait.ge [sflag:s24], $0x2800  }
0x119: {  	[sflag:s24] =	ssyncset.done $0x0  }
0x11a: {  	s31 =	sadd.s32 $0x320, s30;
	[sflag:s24] =	ssyncadd.s32 $0xFFFFD800  }
0x11b: {  	[tilespmem:s16], [sflag:$0x2] =	stream.indirect.gather [hbm4b:s6+s14], $0x40, s31, s14, $0xb8;
	[tilespmem:$0x1DF40] =	vst v63  }
0x11c: {  	_ =	swait.ge [sflag:s25], $0x2800  }
0x11d: {  	[sflag:s25] =	ssyncset.done $0x0  }
.Ltmp4:
0x11e: {  	s31 =	sadd.s32 $0x3C0, s30;
	[sflag:s25] =	ssyncadd.s32 $0xFFFFD800;
	(pc) =	sbr.rel @p1 .LBB2_8-.Ltmp4, $4  }
0x11f: {  	[tilespmem:s17], [sflag:$0x3] =	stream.indirect.gather [hbm4b:s6+s14], $0x40, s31, s14, $0xb8;
	[tilespmem:$0x1DF40] =	vst v63  }
0x120: {  	_ =	swait.ge [sflag:s26], $0x2800  }
0x121: {  	[sflag:s26] =	ssyncset.done $0x0  }
0x122: {  	s30 =	sadd.s32 $0x460, s30;
	[sflag:s26] =	ssyncadd.s32 $0xFFFFD800  }
0x123: {  	[tilespmem:s18], [sflag:$0x4] =	stream.indirect.gather [hbm4b:s6+s14], $0x40, s30, s14, $0xb8;
	[tilespmem:$0x1DF40] =	vst v63  }
0x124: {  	_ =	swait.ge [sflag:s19], $0x2800  }
0x125: {  	[sflag:s19] =	ssyncset.done $0x0  }
0x126: {  	s29 =	simm.s32 $0x9920;
	[sflag:s19] =	ssyncadd.s32 $0xFFFFD800  }
0x127: {  	[spmem:s3] =	stream.indirect.scatter.add.f32 [tilespmem:s15], [sflag:$0x5], $0x40, s29, s14, $0xb8;
	[tilespmem:$0x1DF40] =	vst v63  }
0x128: {  	_ =	swait.ge [sflag:s20], $0x2800  }
0x129: {  	[sflag:s20] =	ssyncset.done $0x0  }
0x12a: {  	s31 =	simm.s32 $0x99C0;
	[sflag:s20] =	ssyncadd.s32 $0xFFFFD800  }
0x12b: {  	[spmem:s3] =	stream.indirect.scatter.add.f32 [tilespmem:s16], [sflag:$0x6], $0x40, s31, s14, $0xb8;
	[tilespmem:$0x1DF40] =	vst v63  }
0x12c: {  	_ =	swait.ge [sflag:s21], $0x2800  }
0x12d: {  	[sflag:s21] =	ssyncset.done $0x0  }
0x12e: {  	s0 =	simm.s32 $0x9A60;
	[sflag:s21] =	ssyncadd.s32 $0xFFFFD800  }
0x12f: {  	[spmem:s3] =	stream.indirect.scatter.add.f32 [tilespmem:s17], [sflag:$0x7], $0x40, s0, s14, $0xb8;
	[tilespmem:$0x1DF40] =	vst v63  }
0x130: {  	_ =	swait.ge [sflag:s22], $0x2800  }
0x131: {  	[sflag:s22] =	ssyncset.done $0x0  }
0x132: {  	s30 =	simm.s32 $0x9B00;
	[sflag:s22] =	ssyncadd.s32 $0xFFFFD800  }
0x133: {  	[spmem:s3] =	stream.indirect.scatter.add.f32 [tilespmem:s18], [sflag:$0x8], $0x40, s30, s14, $0xb8;
	[tilespmem:$0x1DF40] =	vst v63  }
.Ltmp5:
0x134: {  	_ = 	snop;
	(pc) =	sbr.rel .LBB2_10-.Ltmp5, $4  }
0x135: {  	_ =	swait.ge [sflag:s23], $0x2800  }
0x136: {  	[sflag:s23] =	ssyncset.done $0x0  }
0x137: {  	s31 =	simm.s32 $0x4D80;
	[sflag:s23] =	ssyncadd.s32 $0xFFFFD800  }
0x138: {  	[tilespmem:s15], [sflag:$0x1] =	stream.indirect.gather [hbm4b:s6+s14], $0x40, s31, s14, $0xb8;
	[tilespmem:$0x1DF40] =	vst v63  }
.LBB2_4:
0x139: {  	[tilespmem:s15], [sflag:$0x1] =	stream.indirect.gather [hbm4b:s5+s14], $0x40, s29, s14, $0xb8;
	[tilespmem:$0x1DF40] =	vst v63  }
0x13a: {  	_ = 	snop  }
0x13b: {  	[tilespmem:s16], [sflag:$0x2] =	stream.indirect.gather [hbm4b:s5+s14], $0x40, s14, s14, $0xb8;
	[tilespmem:$0x1DF40] =	vst v63  }
0x13c: {  	s29 =	simm.s32 $0x140  }
0x13d: {  	[tilespmem:s17], [sflag:$0x3] =	stream.indirect.gather [hbm4b:s5+s14], $0x40, s29, s14, $0xb8;
	[tilespmem:$0x1DF40] =	vst v63  }
0x13e: {  	s29 =	simm.s32 $0x1E0  }
0x13f: {  	[tilespmem:s18], [sflag:$0x4] =	stream.indirect.gather [hbm4b:s5+s14], $0x40, s29, s14, $0xb8;
	[tilespmem:$0x1DF40] =	vst v63  }
0x140: {  	_ =	swait.ge [sflag:s19], $0x2800  }
0x141: {  	[sflag:s19] =	ssyncset.done $0x0  }
0x142: {  	s29 =	simm.s32 $0x4E20;
	[sflag:s19] =	ssyncadd.s32 $0xFFFFD800  }
0x143: {  	[spmem:s3] =	stream.indirect.scatter.add.f32 [tilespmem:s15], [sflag:$0x5], $0x40, s29, s14, $0xb8;
	[tilespmem:$0x1DF40] =	vst v63  }
0x144: {  	_ =	swait.ge [sflag:s20], $0x2800  }
0x145: {  	[sflag:s20] =	ssyncset.done $0x0  }
0x146: {  	s29 =	simm.s32 $0x4EC0;
	[sflag:s20] =	ssyncadd.s32 $0xFFFFD800  }
0x147: {  	[spmem:s3] =	stream.indirect.scatter.add.f32 [tilespmem:s16], [sflag:$0x6], $0x40, s29, s14, $0xb8;
	[tilespmem:$0x1DF40] =	vst v63  }
0x148: {  	_ =	swait.ge [sflag:s21], $0x2800  }
0x149: {  	[sflag:s21] =	ssyncset.done $0x0  }
0x14a: {  	s29 =	simm.s32 $0x4F60;
	[sflag:s21] =	ssyncadd.s32 $0xFFFFD800  }
0x14b: {  	[spmem:s3] =	stream.indirect.scatter.add.f32 [tilespmem:s17], [sflag:$0x7], $0x40, s29, s14, $0xb8;
	[tilespmem:$0x1DF40] =	vst v63  }
0x14c: {  	_ =	swait.ge [sflag:s22], $0x2800  }
0x14d: {  	[sflag:s22] =	ssyncset.done $0x0  }
0x14e: {  	s29 =	simm.s32 $0x5000;
	[sflag:s22] =	ssyncadd.s32 $0xFFFFD800  }
0x14f: {  	[spmem:s3] =	stream.indirect.scatter.add.f32 [tilespmem:s18], [sflag:$0x8], $0x40, s29, s14, $0xb8;
	[tilespmem:$0x1DF40] =	vst v63  }
0x150: {  	_ =	swait.ge [sflag:s23], $0x2800  }
0x151: {  	[sflag:s23] =	ssyncset.done $0x0  }
0x152: {  	s29 =	simm.s32 $0x280;
	[sflag:s23] =	ssyncadd.s32 $0xFFFFD800  }
0x153: {  	[tilespmem:s15], [sflag:$0x1] =	stream.indirect.gather [hbm4b:s5+s14], $0x40, s29, s14, $0xb8;
	[tilespmem:$0x1DF40] =	vst v63  }
0x154: {  	_ =	swait.ge [sflag:s24], $0x2800  }
0x155: {  	[sflag:s24] =	ssyncset.done $0x0  }
0x156: {  	s29 =	simm.s32 $0x320;
	[sflag:s24] =	ssyncadd.s32 $0xFFFFD800  }
0x157: {  	[tilespmem:s16], [sflag:$0x2] =	stream.indirect.gather [hbm4b:s5+s14], $0x40, s29, s14, $0xb8;
	[tilespmem:$0x1DF40] =	vst v63  }
0x158: {  	_ =	swait.ge [sflag:s25], $0x2800  }
0x159: {  	[sflag:s25] =	ssyncset.done $0x0  }
0x15a: {  	s29 =	simm.s32 $0x3C0;
	[sflag:s25] =	ssyncadd.s32 $0xFFFFD800  }
0x15b: {  	[tilespmem:s17], [sflag:$0x3] =	stream.indirect.gather [hbm4b:s5+s14], $0x40, s29, s14, $0xb8;
	[tilespmem:$0x1DF40] =	vst v63  }
0x15c: {  	_ =	swait.ge [sflag:s26], $0x2800  }
0x15d: {  	[sflag:s26] =	ssyncset.done $0x0  }
0x15e: {  	s30 =	simm.s32 $0x460;
	s29 =	simm.s32 $0xA00;
	[sflag:s26] =	ssyncadd.s32 $0xFFFFD800  }
.LBB2_5:
0x15f: {  	[tilespmem:s18], [sflag:$0x4] =	stream.indirect.gather [hbm4b:s5+s14], $0x40, s30, s14, $0xb8;
	[tilespmem:$0x1DF40] =	vst v63  }
0x160: {  	s30 =	smov.u32 s29  }
0x161: {  	p1 =	sne.s32 s29, $0x12200;
	s29 =	sadd.s32 $0xA00, s29;
	_ =	swait.ge [sflag:s19], $0x2800  }
0x162: {  	s30 =	sshra.s32 s30, $0x2;
	[sflag:s19] =	ssyncset.done $0x0  }
0x163: {  	s31 =	sadd.s32 $0x4E20, s30;
	[sflag:s19] =	ssyncadd.s32 $0xFFFFD800  }
0x164: {  	[spmem:s3] =	stream.indirect.scatter.add.f32 [tilespmem:s15], [sflag:$0x5], $0x40, s31, s14, $0xb8;
	[tilespmem:$0x1DF40] =	vst v63  }
0x165: {  	_ =	swait.ge [sflag:s20], $0x2800  }
0x166: {  	[sflag:s20] =	ssyncset.done $0x0  }
0x167: {  	s31 =	sadd.s32 $0x4EC0, s30;
	[sflag:s20] =	ssyncadd.s32 $0xFFFFD800  }
0x168: {  	[spmem:s3] =	stream.indirect.scatter.add.f32 [tilespmem:s16], [sflag:$0x6], $0x40, s31, s14, $0xb8;
	[tilespmem:$0x1DF40] =	vst v63  }
0x169: {  	_ =	swait.ge [sflag:s21], $0x2800  }
0x16a: {  	[sflag:s21] =	ssyncset.done $0x0  }
0x16b: {  	s31 =	sadd.s32 $0x4F60, s30;
	[sflag:s21] =	ssyncadd.s32 $0xFFFFD800  }
0x16c: {  	[spmem:s3] =	stream.indirect.scatter.add.f32 [tilespmem:s17], [sflag:$0x7], $0x40, s31, s14, $0xb8;
	[tilespmem:$0x1DF40] =	vst v63  }
0x16d: {  	_ =	swait.ge [sflag:s22], $0x2800  }
0x16e: {  	[sflag:s22] =	ssyncset.done $0x0  }
0x16f: {  	s31 =	sadd.s32 $0x5000, s30;
	[sflag:s22] =	ssyncadd.s32 $0xFFFFD800  }
0x170: {  	[spmem:s3] =	stream.indirect.scatter.add.f32 [tilespmem:s18], [sflag:$0x8], $0x40, s31, s14, $0xb8;
	[tilespmem:$0x1DF40] =	vst v63  }
0x171: {  	_ =	swait.ge [sflag:s23], $0x2800  }
0x172: {  	[sflag:s23] =	ssyncset.done $0x0  }
0x173: {  	s31 =	sadd.s32 $0x280, s30;
	[sflag:s23] =	ssyncadd.s32 $0xFFFFD800  }
0x174: {  	[tilespmem:s15], [sflag:$0x1] =	stream.indirect.gather [hbm4b:s5+s14], $0x40, s31, s14, $0xb8;
	[tilespmem:$0x1DF40] =	vst v63  }
0x175: {  	_ =	swait.ge [sflag:s24], $0x2800  }
0x176: {  	[sflag:s24] =	ssyncset.done $0x0  }
0x177: {  	s31 =	sadd.s32 $0x320, s30;
	[sflag:s24] =	ssyncadd.s32 $0xFFFFD800  }
0x178: {  	[tilespmem:s16], [sflag:$0x2] =	stream.indirect.gather [hbm4b:s5+s14], $0x40, s31, s14, $0xb8;
	[tilespmem:$0x1DF40] =	vst v63  }
0x179: {  	_ =	swait.ge [sflag:s25], $0x2800  }
0x17a: {  	[sflag:s25] =	ssyncset.done $0x0  }
.Ltmp6:
0x17b: {  	s31 =	sadd.s32 $0x3C0, s30;
	[sflag:s25] =	ssyncadd.s32 $0xFFFFD800;
	(pc) =	sbr.rel @p1 .LBB2_5-.Ltmp6, $4  }
0x17c: {  	[tilespmem:s17], [sflag:$0x3] =	stream.indirect.gather [hbm4b:s5+s14], $0x40, s31, s14, $0xb8;
	[tilespmem:$0x1DF40] =	vst v63  }
0x17d: {  	_ =	swait.ge [sflag:s26], $0x2800  }
0x17e: {  	[sflag:s26] =	ssyncset.done $0x0  }
0x17f: {  	s30 =	sadd.s32 $0x460, s30;
	[sflag:s26] =	ssyncadd.s32 $0xFFFFD800  }
.Ltmp7:
0x180: {  	_ = 	snop;
	(pc) =	sbr.rel .LBB2_6-.Ltmp7, $1  }
0x181: {  	_ =	sdelay $0x3  }
.LBB2_11:
0x182: {  	_ =	sfence.sel $0x180000  }
0x183: {  	[bflag:$0x0] =	sbarrier.arrive $0xFFFF  }
0x184: {  	_ =	strace $0x90000047  }
0x185: {  	s0 =	stileid.u32;
	[bflag:$0x2] =	sbarrier.arrive $0xFFFF  }
0x186: {  	p0 =	sne.s32 s0, $0x0;
	s0 =	rddreg [dreg:$0x4]  }
0x187: {  	s0 =	sadd.s32 @!p0 $0x100000, s0  }
0x188: {  	[sflag:s0] =	ssyncadd.tile.s32 @!p0 $0x1;
	_ =	shalt  }
.Lfunc_end2:
_tile_overlayer_lowered:
.L_overlay_start_2:
0x189: {  	(tag) =	ssettag $0x2  }
0x18a: {  	s0 =	rddreg [dreg:$0x0];
	s2 =	stileid.u32  }
0x18b: {  	s1 =	rddreg [dreg:$0x1];
	p0 =	sne.s32 s2, $0x0  }
0x18c: {  	s3 =	rddreg [dreg:$0x2];
	[bflag:$0x3] =	sbarrier.arrive $0xFFFF;
	s2 =	simm.s32 @!p0 $0x1C09  }
0x18d: {  	[timem:s3], [sflag:s2] =	dma.local @!p0 [hbm:s0], s1  }
0x18e: {  	s0 =	simm.s32 @!p0 $0x9  }
0x18f: {  	_ =	swait.ge @!p0 [sflag:s0], s1  }
0x190: {  	s1 =	ssub.s32 @!p0 $0x0, s1;
	[sflag:s0] =	ssyncset.done @!p0 $0x0  }
0x191: {  	[sflag:s0] =	ssyncadd.s32 @!p0 s1  }
0x192: {  	[bflag:$0x3] =	sbarrier.arrive $0xFFFF  }
0x193: {  	_ =	shalt  }

</sc_bundles>
